<compile_context>
chip_gen: v7x
topology: tpu7x:2x2x1
jax: 0.10.2.dev20260603
libtpu: 0.0.44.dev20260713+nightly
codegen_flags: <defaults>
</compile_context>

<pallas_src>
import dataclasses

import jax
import jax.numpy as jnp
from jax import lax
from jax.experimental import pallas as pl
from jax.experimental.pallas import tpu as pltpu
from jax.experimental.pallas import tpu_sc as plsc

B = 512
D = 128

N_ATOMS = 10000
N_BONDS = 160000

BBLK = 128
ABLK = 80
NB_BOND = N_BONDS // BBLK
NB_ATOM = N_ATOMS // ABLK
NW = 32
BOND_FLOOR = NB_BOND // NW
ATOM_FLOOR = NB_ATOM // NW
BOND_MAX = BOND_FLOOR + 1
ATOM_MAX = ATOM_FLOOR + 1


def _sc_pool_body(
    bond_hbm,
    bseg_hbm,
    atom_hbm,
    aseg_hbm,
    out_a_hbm,
    out_b_hbm,
    acc_a,
    acc_b,
    rows0,
    rows1,
    rows2,
    arows0,
    arows1,
    idxA,
    idxB,
    idxC,
    bseg_all,
    aseg_all,
    tmp_v,
    sem_pre,
    gsem0,
    gsem1,
    gsem2,
    ssem0,
    ssem1,
    ssem2,
    asem0,
    asem1,
):
    cid = lax.axis_index("c")
    sid = lax.axis_index("s")
    wid = sid * 2 + cid

    nb = BOND_FLOOR + jnp.where(wid < NB_BOND - BOND_FLOOR * NW, 1, 0)
    na = ATOM_FLOOR + jnp.where(wid < NB_ATOM - ATOM_FLOOR * NW, 1, 0)

    @pl.loop(0, nb)
    def _(j):
        row0 = (j * NW + wid) * BBLK
        pltpu.async_copy(bseg_hbm.at[pl.ds(row0, BBLK)], bseg_all.at[j], sem_pre)

    @pl.loop(0, na)
    def _(j):
        row0 = (j * NW + wid) * ABLK
        pltpu.async_copy(aseg_hbm.at[pl.ds(row0, ABLK)], aseg_all.at[j], sem_pre)

    @pl.loop(0, 32)
    def _(r):
        @pl.loop(0, D // 16)
        def _(c):
            tmp_v[r, pl.ds(c * 16, 16)] = jnp.zeros((16,), jnp.float32)

    pltpu.sync_copy(tmp_v, acc_a.at[pl.ds(sid * 32, 32)])
    pltpu.sync_copy(tmp_v, acc_b.at[pl.ds(sid * 32, 32)])

    @pl.loop(0, nb)
    def _(j):
        pltpu.make_async_copy(bseg_hbm.at[pl.ds(0, BBLK)], bseg_all.at[0], sem_pre).wait()

    lane = lax.broadcasted_iota(jnp.int32, (16,), 0)
    for c in range(BBLK // 16):
        idxA[pl.ds(c * 16, 16)] = 2 * (wid * BBLK + c * 16) + 2 * lane
        idxB[pl.ds(c * 16, 16)] = 2 * ((NW + wid) * BBLK + c * 16) + 2 * lane
        idxC[pl.ds(c * 16, 16)] = 2 * ((2 * NW + wid) * BBLK + c * 16) + 2 * lane

    @pl.loop(0, na)
    def _(j):
        pltpu.make_async_copy(aseg_hbm.at[pl.ds(0, ABLK)], aseg_all.at[0], sem_pre).wait()

    plsc.subcore_barrier()

    rowsv = [rows0, rows1, rows2]
    idxv = [idxA, idxB, idxC]
    gsemv = [gsem0, gsem1, gsem2]
    ssemv = [ssem0, ssem1, ssem2]

    def bond_step(j, o):
        jj = j + o
        k = o % 3
        k2 = (o + 2) % 3

        @pl.when(jj < nb)
        def _():
            pltpu.make_async_copy(bond_hbm.at[idxv[k]], rowsv[k], gsemv[k]).wait()
            for c in range(BBLK // 16):
                idxv[k][pl.ds(c * 16, 16)] = (
                    idxv[k][pl.ds(c * 16, 16)] + 6 * NW * BBLK
                )

            @pl.when(jj + 2 < nb)
            def _():
                @pl.when(jj >= 1)
                def _():
                    pltpu.make_async_copy(
                        rowsv[k2], acc_b.at[bseg_all.at[0]], ssemv[k2]
                    ).wait()

                pltpu.async_copy(bond_hbm.at[idxv[k2]], rowsv[k2], gsemv[k2])

            pltpu.async_copy(rowsv[k], acc_b.at[bseg_all.at[jj]], ssemv[k], add=True)

    pltpu.async_copy(bond_hbm.at[idxA], rows0, gsem0)
    pltpu.async_copy(bond_hbm.at[idxB], rows1, gsem1)

    @pl.loop(0, BOND_MAX + 2, step=3)
    def _(j):
        bond_step(j, 0)
        bond_step(j, 1)
        bond_step(j, 2)

    for k in range(3):
        pltpu.make_async_copy(rowsv[k], acc_b.at[bseg_all.at[0]], ssemv[k]).wait()

    def atom_gather(j, buf, sem):
        row0 = (j * NW + wid) * ABLK
        pltpu.async_copy(atom_hbm.at[pl.ds(row0, ABLK)], buf, sem)

    def atom_step(j, buf, sem, nxt_buf, nxt_sem):
        @pl.when(j < na)
        def _():
            @pl.when(j + 1 < na)
            def _():
                atom_gather(j + 1, nxt_buf, nxt_sem)

            pltpu.make_async_copy(atom_hbm.at[pl.ds(0, ABLK)], buf, sem).wait()
            pltpu.sync_copy(buf, acc_a.at[aseg_all.at[j]], add=True)

    atom_gather(0, arows0, asem0)

    @pl.loop(0, ATOM_MAX, step=2)
    def _(j):
        atom_step(j, arows0, asem0, arows1, asem1)
        atom_step(j + 1, arows1, asem1, arows0, asem0)

    plsc.subcore_barrier()

    pltpu.sync_copy(acc_a.at[pl.ds(sid * 32, 32)], tmp_v)
    pltpu.sync_copy(tmp_v, out_a_hbm.at[cid, pl.ds(sid * 32, 32)])
    pltpu.sync_copy(acc_b.at[pl.ds(sid * 32, 32)], tmp_v)
    pltpu.sync_copy(tmp_v, out_b_hbm.at[cid, pl.ds(sid * 32, 32)])


def _sc_pool(bond_feats, b_ids, atom_feats, a_ids):
    mesh = plsc.VectorSubcoreMesh(core_axis_name="c", subcore_axis_name="s")
    f32 = jnp.float32
    i32 = jnp.int32
    cp = pltpu.CompilerParams()
    if "needs_layout_passes" in pltpu.CompilerParams.__dataclass_fields__:
        cp = dataclasses.replace(cp, needs_layout_passes=False)
    kern = pl.kernel(
        _sc_pool_body,
        compiler_params=cp,
        out_type=(
            jax.ShapeDtypeStruct((2, B, D), f32),
            jax.ShapeDtypeStruct((2, B, D), f32),
        ),
        mesh=mesh,
        scratch_types=[
            pltpu.VMEM_SHARED((B, D), f32),
            pltpu.VMEM_SHARED((B, D), f32),
            pltpu.VMEM((BBLK, D), f32),
            pltpu.VMEM((BBLK, D), f32),
            pltpu.VMEM((BBLK, D), f32),
            pltpu.VMEM((ABLK, D), f32),
            pltpu.VMEM((ABLK, D), f32),
            pltpu.VMEM((BBLK,), i32),
            pltpu.VMEM((BBLK,), i32),
            pltpu.VMEM((BBLK,), i32),
            pltpu.VMEM((BOND_MAX, BBLK), i32),
            pltpu.VMEM((ATOM_MAX, ABLK), i32),
            pltpu.VMEM((32, D), f32),
            pltpu.SemaphoreType.DMA,
            pltpu.SemaphoreType.DMA,
            pltpu.SemaphoreType.DMA,
            pltpu.SemaphoreType.DMA,
            pltpu.SemaphoreType.DMA,
            pltpu.SemaphoreType.DMA,
            pltpu.SemaphoreType.DMA,
            pltpu.SemaphoreType.DMA,
            pltpu.SemaphoreType.DMA,
        ],
    )
    return kern(bond_feats, b_ids, atom_feats, a_ids)


def _combine_body(pa_ref, pb_ref, g_ref, out_ref):
    out_ref[:, 0:D] = pa_ref[0] + pa_ref[1]
    out_ref[:, D : 2 * D] = pb_ref[0] + pb_ref[1]
    out_ref[:, 2 * D : 3 * D] = g_ref[...]


def _combine(pa, pb, g):
    return pl.pallas_call(
        _combine_body,
        out_shape=jax.ShapeDtypeStruct((B, 3 * D), jnp.float32),
    )(pa, pb, g)


def kernel(atom_feats, bond_feats, global_feats, atom_segment_ids, bond_segment_ids):
    a_ids = atom_segment_ids.astype(jnp.int32)
    b_ids = bond_segment_ids.astype(jnp.int32)
    pa, pb = _sc_pool(bond_feats, b_ids, atom_feats, a_ids)
    return _combine(pa, pb, global_feats)

# --- scband reference (transcript-rebuilt; emitter-appended) ---
"""Pipeline reference for scband-base-pooling-18133351923873 (READ-ONLY COPY).

The authoritative reference and input builder live on the scoring server;
editing this copy changes nothing except your own understanding.
"""

import jax, jax.numpy as jnp
import numpy as np

B = 512
D = 128
N_ATOMS = 10000
N_BOND_ROWS = 320000  # directed bonds stored twice; forward uses [::2]
N_BONDS = N_BOND_ROWS // 2


def setup_inputs(seed: int = 0) -> dict:
    key = jax.random.key(seed)
    k1, k2, k3, k4, k5 = jax.random.split(key, 5)
    atom_feats = jax.random.normal(k1, (N_ATOMS, D), dtype=jnp.float32)
    bond_feats = jax.random.normal(k2, (N_BOND_ROWS, D), dtype=jnp.float32)
    global_feats = jax.random.normal(k3, (B, D), dtype=jnp.float32)
    atom_segment_ids = jnp.sort(jax.random.randint(k4, (N_ATOMS,), 0, B)).astype(jnp.int64)
    bond_segment_ids = jnp.sort(jax.random.randint(k5, (N_BONDS,), 0, B)).astype(jnp.int64)
    return {
        "atom_feats": atom_feats,
        "bond_feats": bond_feats,
        "global_feats": global_feats,
        "atom_segment_ids": atom_segment_ids,
        "bond_segment_ids": bond_segment_ids,
    }


def reference(atom_feats, bond_feats, global_feats, atom_segment_ids, bond_segment_ids):
    # BasePooling.forward with reducer='sum', pooling atom + bond + global feats.
    # metadata num_atoms/num_bonds (segment sizes) are equivalently expressed as
    # sorted per-row segment ids; segment_sum reproduces the size-based pooling.
    num_graphs = global_feats.shape[0]
    # pool_atom: sum atom feats per graph
    atom_pooled = jax.ops.segment_sum(atom_feats, atom_segment_ids, num_segments=num_graphs)
    # pool_bond: bond feats are stored per directed edge (twice); take every other row
    bond_sel = bond_feats[::2]
    bond_pooled = jax.ops.segment_sum(bond_sel, bond_segment_ids, num_segments=num_graphs)
    # pool_global: pass-through
    return jnp.concatenate([atom_pooled, bond_pooled, global_feats], axis=-1)

if __name__ == "__main__":
    import jax
    _d = setup_inputs()
    print(jax.jit(kernel)(*tuple(_d.values())))

</pallas_src>

<mosaic_0001>
#map = affine_map<(d0, d1) -> (0, 0)>
#map1 = affine_map<(d0, d1) -> (0)>
#map2 = affine_map<(d0, d1) -> (0, 0, 0)>
module attributes {stable_mosaic.version = 14 : i64} {
  func.func @_sc_pool_body(%arg0: i32, %arg1: i32, %arg2: memref<320000x128xf32, #tpu.memory_space<hbm>>, %arg3: memref<160000xi32, #tpu.memory_space<hbm>>, %arg4: memref<10000x128xf32, #tpu.memory_space<hbm>>, %arg5: memref<10000xi32, #tpu.memory_space<hbm>>, %arg6: memref<2x512x128xf32, #tpu.memory_space<hbm>>, %arg7: memref<2x512x128xf32, #tpu.memory_space<hbm>>, %arg8: memref<512x128xf32, #tpu.memory_space<vmem_shared>>, %arg9: memref<512x128xf32, #tpu.memory_space<vmem_shared>>, %arg10: memref<128x128xf32, #tpu.memory_space<vmem>>, %arg11: memref<128x128xf32, #tpu.memory_space<vmem>>, %arg12: memref<128x128xf32, #tpu.memory_space<vmem>>, %arg13: memref<80x128xf32, #tpu.memory_space<vmem>>, %arg14: memref<80x128xf32, #tpu.memory_space<vmem>>, %arg15: memref<128xi32, #tpu.memory_space<vmem>>, %arg16: memref<128xi32, #tpu.memory_space<vmem>>, %arg17: memref<128xi32, #tpu.memory_space<vmem>>, %arg18: memref<40x128xi32, #tpu.memory_space<vmem>>, %arg19: memref<4x80xi32, #tpu.memory_space<vmem>>, %arg20: memref<32x128xf32, #tpu.memory_space<vmem>>, %arg21: memref<!tpu.dma_semaphore, #tpu.memory_space<semaphore_mem>>, %arg22: memref<!tpu.dma_semaphore, #tpu.memory_space<semaphore_mem>>, %arg23: memref<!tpu.dma_semaphore, #tpu.memory_space<semaphore_mem>>, %arg24: memref<!tpu.dma_semaphore, #tpu.memory_space<semaphore_mem>>, %arg25: memref<!tpu.dma_semaphore, #tpu.memory_space<semaphore_mem>>, %arg26: memref<!tpu.dma_semaphore, #tpu.memory_space<semaphore_mem>>, %arg27: memref<!tpu.dma_semaphore, #tpu.memory_space<semaphore_mem>>, %arg28: memref<!tpu.dma_semaphore, #tpu.memory_space<semaphore_mem>>, %arg29: memref<!tpu.dma_semaphore, #tpu.memory_space<semaphore_mem>>) attributes {dimension_semantics = [#tpu.dimension_semantics<core_parallel>, #tpu.dimension_semantics<subcore_parallel>], iteration_bounds = array<i64: 2, 16>, scalar_prefetch = 0 : i64, scratch_operands = 22 : i64, tpu.core_type = #tpu.core_type<sc_vector_subcore>, window_params = [{transform_indices = #map}, {transform_indices = #map1}, {transform_indices = #map}, {transform_indices = #map1}, {transform_indices = #map2}, {transform_indices = #map2}]} {
    %mul3A = arith.constant 2 : i32
    %mul3A_0 = arith.muli %arg1, %mul3A : i32
    %add3A = arith.addi %mul3A_0, %arg0 : i32
    %lt3A = arith.constant 2 : i32
    %lt3A_1 = arith.cmpi slt, %add3A, %lt3A : i32
    %jit3A = arith.constant 1 : i32
    %jit3A_2 = arith.constant 0 : i32
    %select_n3A = arith.select %lt3A_1, %jit3A, %jit3A_2 : i32
    %add3A_3 = arith.constant 39 : i32
    %add3A_4 = arith.addi %add3A_3, %select_n3A : i32
    %lt3A_5 = arith.constant 29 : i32
    %lt3A_6 = arith.cmpi slt, %add3A, %lt3A_5 : i32
    %jit3A_7 = arith.constant 1 : i32
    %jit3A_8 = arith.constant 0 : i32
    %select_n3A_9 = arith.select %lt3A_6, %jit3A_7, %jit3A_8 : i32
    %add3A_10 = arith.constant 3 : i32
    %add3A_11 = arith.addi %add3A_10, %select_n3A_9 : i32
    %sub3A = arith.constant 0 : i32
    %sub3A_12 = arith.subi %add3A_4, %sub3A : i32
    %sub3A_13 = arith.constant 1 : i32
    %sub3A_14 = arith.constant 1 : i32
    %sub3A_15 = arith.subi %sub3A_13, %sub3A_14 : i32
    %add3A_16 = arith.addi %sub3A_12, %sub3A_15 : i32
    %div3A = arith.constant 1 : i32
    %div3A_17 = arith.divsi %add3A_16, %div3A : i32
    %while3A = arith.constant 1 : i32
    %while3A_18 = arith.constant 0 : i32
    %while3A_19 = arith.constant 0 : i32
    %while3A_20 = arith.subi %div3A_17, %while3A_19 : i32
    %while3A_21 = arith.addi %while3A_19, %while3A_20 : i32
    %while3A_22 = arith.constant 1 : i32
    %while3A_23 = arith.divsi %while3A_20, %while3A_22 : i32
    %while3A_24 = arith.muli %while3A_23, %while3A_22 : i32
    %while3A_25 = arith.addi %while3A_19, %while3A_24 : i32
    %while3A_26 = arith.constant 1 : i32
    scf.for %while3A_488 = %while3A_19 to %while3A_25 step %while3A_26  : i32 {
      %mul3A_489 = arith.muli %while3A_488, %while3A : i32
      %add3A_490 = arith.addi %while3A_18, %mul3A_489 : i32
      %mul3A_491 = arith.constant 32 : i32
      %mul3A_492 = arith.muli %add3A_490, %mul3A_491 : i32
      %add3A_493 = arith.addi %mul3A_492, %add3A : i32
      %mul3A_494 = arith.constant 128 : i32
      %mul3A_495 = arith.muli %add3A_493, %mul3A_494 : i32
      %dma_start3A_496 = arith.constant 0 : i32
      %dma_start3A_497 = tpu.memref_slice %arg18[%add3A_490, %dma_start3A_496] : memref<40x128xi32, #tpu.memory_space<vmem>> -> memref<1x128xi32, #tpu.memory_space<vmem>>
      %dma_start3A_498 = tpu.memref_squeeze %dma_start3A_497 : memref<1x128xi32, #tpu.memory_space<vmem>> -> memref<128xi32, #tpu.memory_space<vmem>>
      %dma_start3A_499 = tpu.memref_slice %arg3[%mul3A_495] : memref<160000xi32, #tpu.memory_space<hbm>> -> memref<128xi32, #tpu.memory_space<hbm>>
      %dma_start3A_500 = arith.constant 0 : i32
      %dma_start3A_501 = tpu.memref_slice %arg18[%add3A_490, %dma_start3A_500] : memref<40x128xi32, #tpu.memory_space<vmem>> -> memref<1x128xi32, #tpu.memory_space<vmem>>
      %dma_start3A_502 = tpu.memref_squeeze %dma_start3A_501 : memref<1x128xi32, #tpu.memory_space<vmem>> -> memref<128xi32, #tpu.memory_space<vmem>>
      %dma_start3A_503 = tpu.memref_slice %arg3[%mul3A_495] : memref<160000xi32, #tpu.memory_space<hbm>> -> memref<128xi32, #tpu.memory_space<hbm>>
      tpu.enqueue_dma source(%dma_start3A_503 : memref<128xi32, #tpu.memory_space<hbm>>) target(%dma_start3A_502 : memref<128xi32, #tpu.memory_space<vmem>>) target_semaphore(%arg21 : memref<!tpu.dma_semaphore, #tpu.memory_space<semaphore_mem>>)
    }
    %while3A_27 = arith.constant 1 : i32
    scf.for %while3A_488 = %while3A_25 to %while3A_21 step %while3A_27  : i32 {
      %mul3A_489 = arith.muli %while3A_488, %while3A : i32
      %add3A_490 = arith.addi %while3A_18, %mul3A_489 : i32
      %mul3A_491 = arith.constant 32 : i32
      %mul3A_492 = arith.muli %add3A_490, %mul3A_491 : i32
      %add3A_493 = arith.addi %mul3A_492, %add3A : i32
      %mul3A_494 = arith.constant 128 : i32
      %mul3A_495 = arith.muli %add3A_493, %mul3A_494 : i32
      %dma_start3A_496 = arith.constant 0 : i32
      %dma_start3A_497 = tpu.memref_slice %arg18[%add3A_490, %dma_start3A_496] : memref<40x128xi32, #tpu.memory_space<vmem>> -> memref<1x128xi32, #tpu.memory_space<vmem>>
      %dma_start3A_498 = tpu.memref_squeeze %dma_start3A_497 : memref<1x128xi32, #tpu.memory_space<vmem>> -> memref<128xi32, #tpu.memory_space<vmem>>
      %dma_start3A_499 = tpu.memref_slice %arg3[%mul3A_495] : memref<160000xi32, #tpu.memory_space<hbm>> -> memref<128xi32, #tpu.memory_space<hbm>>
      %dma_start3A_500 = arith.constant 0 : i32
      %dma_start3A_501 = tpu.memref_slice %arg18[%add3A_490, %dma_start3A_500] : memref<40x128xi32, #tpu.memory_space<vmem>> -> memref<1x128xi32, #tpu.memory_space<vmem>>
      %dma_start3A_502 = tpu.memref_squeeze %dma_start3A_501 : memref<1x128xi32, #tpu.memory_space<vmem>> -> memref<128xi32, #tpu.memory_space<vmem>>
      %dma_start3A_503 = tpu.memref_slice %arg3[%mul3A_495] : memref<160000xi32, #tpu.memory_space<hbm>> -> memref<128xi32, #tpu.memory_space<hbm>>
      tpu.enqueue_dma source(%dma_start3A_503 : memref<128xi32, #tpu.memory_space<hbm>>) target(%dma_start3A_502 : memref<128xi32, #tpu.memory_space<vmem>>) target_semaphore(%arg21 : memref<!tpu.dma_semaphore, #tpu.memory_space<semaphore_mem>>)
    }
    %sub3A_28 = arith.constant 0 : i32
    %sub3A_29 = arith.subi %add3A_11, %sub3A_28 : i32
    %sub3A_30 = arith.constant 1 : i32
    %sub3A_31 = arith.constant 1 : i32
    %sub3A_32 = arith.subi %sub3A_30, %sub3A_31 : i32
    %add3A_33 = arith.addi %sub3A_29, %sub3A_32 : i32
    %div3A_34 = arith.constant 1 : i32
    %div3A_35 = arith.divsi %add3A_33, %div3A_34 : i32
    %while3A_36 = arith.constant 1 : i32
    %while3A_37 = arith.constant 0 : i32
    %while3A_38 = arith.constant 0 : i32
    %while3A_39 = arith.subi %div3A_35, %while3A_38 : i32
    %while3A_40 = arith.addi %while3A_38, %while3A_39 : i32
    %while3A_41 = arith.constant 1 : i32
    %while3A_42 = arith.divsi %while3A_39, %while3A_41 : i32
    %while3A_43 = arith.muli %while3A_42, %while3A_41 : i32
    %while3A_44 = arith.addi %while3A_38, %while3A_43 : i32
    %while3A_45 = arith.constant 1 : i32
    scf.for %while3A_488 = %while3A_38 to %while3A_44 step %while3A_45  : i32 {
      %mul3A_489 = arith.muli %while3A_488, %while3A_36 : i32
      %add3A_490 = arith.addi %while3A_37, %mul3A_489 : i32
      %mul3A_491 = arith.constant 32 : i32
      %mul3A_492 = arith.muli %add3A_490, %mul3A_491 : i32
      %add3A_493 = arith.addi %mul3A_492, %add3A : i32
      %mul3A_494 = arith.constant 80 : i32
      %mul3A_495 = arith.muli %add3A_493, %mul3A_494 : i32
      %dma_start3A_496 = arith.constant 0 : i32
      %dma_start3A_497 = tpu.memref_slice %arg19[%add3A_490, %dma_start3A_496] : memref<4x80xi32, #tpu.memory_space<vmem>> -> memref<1x80xi32, #tpu.memory_space<vmem>>
      %dma_start3A_498 = tpu.memref_squeeze %dma_start3A_497 : memref<1x80xi32, #tpu.memory_space<vmem>> -> memref<80xi32, #tpu.memory_space<vmem>>
      %dma_start3A_499 = tpu.memref_slice %arg5[%mul3A_495] : memref<10000xi32, #tpu.memory_space<hbm>> -> memref<80xi32, #tpu.memory_space<hbm>>
      %dma_start3A_500 = arith.constant 0 : i32
      %dma_start3A_501 = tpu.memref_slice %arg19[%add3A_490, %dma_start3A_500] : memref<4x80xi32, #tpu.memory_space<vmem>> -> memref<1x80xi32, #tpu.memory_space<vmem>>
      %dma_start3A_502 = tpu.memref_squeeze %dma_start3A_501 : memref<1x80xi32, #tpu.memory_space<vmem>> -> memref<80xi32, #tpu.memory_space<vmem>>
      %dma_start3A_503 = tpu.memref_slice %arg5[%mul3A_495] : memref<10000xi32, #tpu.memory_space<hbm>> -> memref<80xi32, #tpu.memory_space<hbm>>
      tpu.enqueue_dma source(%dma_start3A_503 : memref<80xi32, #tpu.memory_space<hbm>>) target(%dma_start3A_502 : memref<80xi32, #tpu.memory_space<vmem>>) target_semaphore(%arg21 : memref<!tpu.dma_semaphore, #tpu.memory_space<semaphore_mem>>)
    }
    %while3A_46 = arith.constant 1 : i32
    scf.for %while3A_488 = %while3A_44 to %while3A_40 step %while3A_46  : i32 {
      %mul3A_489 = arith.muli %while3A_488, %while3A_36 : i32
      %add3A_490 = arith.addi %while3A_37, %mul3A_489 : i32
      %mul3A_491 = arith.constant 32 : i32
      %mul3A_492 = arith.muli %add3A_490, %mul3A_491 : i32
      %add3A_493 = arith.addi %mul3A_492, %add3A : i32
      %mul3A_494 = arith.constant 80 : i32
      %mul3A_495 = arith.muli %add3A_493, %mul3A_494 : i32
      %dma_start3A_496 = arith.constant 0 : i32
      %dma_start3A_497 = tpu.memref_slice %arg19[%add3A_490, %dma_start3A_496] : memref<4x80xi32, #tpu.memory_space<vmem>> -> memref<1x80xi32, #tpu.memory_space<vmem>>
      %dma_start3A_498 = tpu.memref_squeeze %dma_start3A_497 : memref<1x80xi32, #tpu.memory_space<vmem>> -> memref<80xi32, #tpu.memory_space<vmem>>
      %dma_start3A_499 = tpu.memref_slice %arg5[%mul3A_495] : memref<10000xi32, #tpu.memory_space<hbm>> -> memref<80xi32, #tpu.memory_space<hbm>>
      %dma_start3A_500 = arith.constant 0 : i32
      %dma_start3A_501 = tpu.memref_slice %arg19[%add3A_490, %dma_start3A_500] : memref<4x80xi32, #tpu.memory_space<vmem>> -> memref<1x80xi32, #tpu.memory_space<vmem>>
      %dma_start3A_502 = tpu.memref_squeeze %dma_start3A_501 : memref<1x80xi32, #tpu.memory_space<vmem>> -> memref<80xi32, #tpu.memory_space<vmem>>
      %dma_start3A_503 = tpu.memref_slice %arg5[%mul3A_495] : memref<10000xi32, #tpu.memory_space<hbm>> -> memref<80xi32, #tpu.memory_space<hbm>>
      tpu.enqueue_dma source(%dma_start3A_503 : memref<80xi32, #tpu.memory_space<hbm>>) target(%dma_start3A_502 : memref<80xi32, #tpu.memory_space<vmem>>) target_semaphore(%arg21 : memref<!tpu.dma_semaphore, #tpu.memory_space<semaphore_mem>>)
    }
    %scan3A = arith.constant 0 : i32
    %scan3A_47 = arith.constant 32 : i32
    %scan3A_48 = arith.addi %scan3A, %scan3A_47 : i32
    %scan3A_49 = arith.constant 1 : i32
    scf.for %scan3A_488 = %scan3A to %scan3A_48 step %scan3A_49  : i32 {
      %mul3A_489 = arith.constant 1 : i32
      %mul3A_490 = arith.muli %scan3A_488, %mul3A_489 : i32
      %add3A_491 = arith.constant 0 : i32
      %add3A_492 = arith.addi %add3A_491, %mul3A_490 : i32
      %scan3A_493 = arith.constant 0 : i32
      %scan3A_494 = arith.constant 8 : i32
      %scan3A_495 = arith.addi %scan3A_493, %scan3A_494 : i32
      %scan3A_496 = arith.constant 1 : i32
      scf.for %scan3A_498 = %scan3A_493 to %scan3A_495 step %scan3A_496  : i32 {
        %mul3A_499 = arith.constant 1 : i32
        %mul3A_500 = arith.muli %scan3A_498, %mul3A_499 : i32
        %add3A_501 = arith.constant 0 : i32
        %add3A_502 = arith.addi %add3A_501, %mul3A_500 : i32
        %broadcast_in_dim3A = arith.constant 0.000000e+00 : f32
        %broadcast_in_dim3A_503 = vector.broadcast %broadcast_in_dim3A : f32 to vector<16xf32>
        %mul3A_504 = arith.constant 16 : i32
        %mul3A_505 = arith.muli %add3A_502, %mul3A_504 : i32
        %swap3A_506 = arith.index_cast %add3A_492 : i32 to index
        %swap3A_507 = arith.index_cast %mul3A_505 : i32 to index
        %swap3A_508 = tpu.vector_load %arg20[%swap3A_506, %swap3A_507] {strides = array<i32>} : memref<32x128xf32, #tpu.memory_space<vmem>>, vector<16xf32>,
        tpu.vector_store %arg20[%swap3A_506, %swap3A_507], %broadcast_in_dim3A_503 {strides = array<i32>} : memref<32x128xf32, #tpu.memory_space<vmem>>, vector<16xf32>,
      }
      %scan3A_497 = arith.constant 8 : i32
    }
    %scan3A_50 = arith.constant 32 : i32
    %mul3A_51 = arith.constant 32 : i32
    %mul3A_52 = arith.muli %arg1, %mul3A_51 : i32
    "tpu.region"() ({
      %run_scoped3A = tpu.sem_alloc : memref<!tpu.dma_semaphore, #tpu.memory_space<semaphore_mem>>
      %dma_start3A_488 = arith.constant 0 : i32
      %dma_start3A_489 = tpu.memref_slice %arg8[%mul3A_52, %dma_start3A_488] : memref<512x128xf32, #tpu.memory_space<vmem_shared>> -> memref<32x128xf32, #tpu.memory_space<vmem_shared>>
      %dma_start3A_490 = arith.constant 0 : i32
      %dma_start3A_491 = tpu.memref_slice %arg8[%mul3A_52, %dma_start3A_490] : memref<512x128xf32, #tpu.memory_space<vmem_shared>> -> memref<32x128xf32, #tpu.memory_space<vmem_shared>>
      tpu.enqueue_dma source(%arg20 : memref<32x128xf32, #tpu.memory_space<vmem>>) target(%dma_start3A_491 : memref<32x128xf32, #tpu.memory_space<vmem_shared>>) target_semaphore(%run_scoped3A : memref<!tpu.dma_semaphore, #tpu.memory_space<semaphore_mem>>)
      %dma_wait3A_492 = arith.constant 0 : i32
      %dma_wait3A_493 = tpu.memref_slice %arg8[%mul3A_52, %dma_wait3A_492] : memref<512x128xf32, #tpu.memory_space<vmem_shared>> -> memref<32x128xf32, #tpu.memory_space<vmem_shared>>
      %dma_wait3A_494 = arith.constant 0 : i32
      %dma_wait3A_495 = tpu.memref_slice %arg8[%mul3A_52, %dma_wait3A_494] : memref<512x128xf32, #tpu.memory_space<vmem_shared>> -> memref<32x128xf32, #tpu.memory_space<vmem_shared>>
      tpu.wait_dma2 semaphore(%run_scoped3A : memref<!tpu.dma_semaphore, #tpu.memory_space<semaphore_mem>>) src(%arg20 : memref<32x128xf32, #tpu.memory_space<vmem>>) dst(%dma_wait3A_495 : memref<32x128xf32, #tpu.memory_space<vmem_shared>>)
      tpu.yield
    }) : () -> ()
    %mul3A_53 = arith.constant 32 : i32
    %mul3A_54 = arith.muli %arg1, %mul3A_53 : i32
    "tpu.region"() ({
      %run_scoped3A = tpu.sem_alloc : memref<!tpu.dma_semaphore, #tpu.memory_space<semaphore_mem>>
      %dma_start3A_488 = arith.constant 0 : i32
      %dma_start3A_489 = tpu.memref_slice %arg9[%mul3A_54, %dma_start3A_488] : memref<512x128xf32, #tpu.memory_space<vmem_shared>> -> memref<32x128xf32, #tpu.memory_space<vmem_shared>>
      %dma_start3A_490 = arith.constant 0 : i32
      %dma_start3A_491 = tpu.memref_slice %arg9[%mul3A_54, %dma_start3A_490] : memref<512x128xf32, #tpu.memory_space<vmem_shared>> -> memref<32x128xf32, #tpu.memory_space<vmem_shared>>
      tpu.enqueue_dma source(%arg20 : memref<32x128xf32, #tpu.memory_space<vmem>>) target(%dma_start3A_491 : memref<32x128xf32, #tpu.memory_space<vmem_shared>>) target_semaphore(%run_scoped3A : memref<!tpu.dma_semaphore, #tpu.memory_space<semaphore_mem>>)
      %dma_wait3A_492 = arith.constant 0 : i32
      %dma_wait3A_493 = tpu.memref_slice %arg9[%mul3A_54, %dma_wait3A_492] : memref<512x128xf32, #tpu.memory_space<vmem_shared>> -> memref<32x128xf32, #tpu.memory_space<vmem_shared>>
      %dma_wait3A_494 = arith.constant 0 : i32
      %dma_wait3A_495 = tpu.memref_slice %arg9[%mul3A_54, %dma_wait3A_494] : memref<512x128xf32, #tpu.memory_space<vmem_shared>> -> memref<32x128xf32, #tpu.memory_space<vmem_shared>>
      tpu.wait_dma2 semaphore(%run_scoped3A : memref<!tpu.dma_semaphore, #tpu.memory_space<semaphore_mem>>) src(%arg20 : memref<32x128xf32, #tpu.memory_space<vmem>>) dst(%dma_wait3A_495 : memref<32x128xf32, #tpu.memory_space<vmem_shared>>)
      tpu.yield
    }) : () -> ()
    %sub3A_55 = arith.constant 0 : i32
    %sub3A_56 = arith.subi %add3A_4, %sub3A_55 : i32
    %sub3A_57 = arith.constant 1 : i32
    %sub3A_58 = arith.constant 1 : i32
    %sub3A_59 = arith.subi %sub3A_57, %sub3A_58 : i32
    %add3A_60 = arith.addi %sub3A_56, %sub3A_59 : i32
    %div3A_61 = arith.constant 1 : i32
    %div3A_62 = arith.divsi %add3A_60, %div3A_61 : i32
    %while3A_63 = arith.constant 1 : i32
    %while3A_64 = arith.constant 0 : i32
    %while3A_65 = arith.constant 0 : i32
    %while3A_66 = arith.subi %div3A_62, %while3A_65 : i32
    %while3A_67 = arith.addi %while3A_65, %while3A_66 : i32
    %while3A_68 = arith.constant 1 : i32
    %while3A_69 = arith.divsi %while3A_66, %while3A_68 : i32
    %while3A_70 = arith.muli %while3A_69, %while3A_68 : i32
    %while3A_71 = arith.addi %while3A_65, %while3A_70 : i32
    %while3A_72 = arith.constant 1 : i32
    scf.for %while3A_488 = %while3A_65 to %while3A_71 step %while3A_72  : i32 {
      %mul3A_489 = arith.muli %while3A_488, %while3A_63 : i32
      %add3A_490 = arith.addi %while3A_64, %mul3A_489 : i32
      %dma_wait3A_491 = arith.constant 0 : i32
      %dma_wait3A_492 = arith.constant 0 : i32
      %dma_wait3A_493 = tpu.memref_slice %arg18[%dma_wait3A_491, %dma_wait3A_492] : memref<40x128xi32, #tpu.memory_space<vmem>> -> memref<1x128xi32, #tpu.memory_space<vmem>>
      %dma_wait3A_494 = tpu.memref_squeeze %dma_wait3A_493 : memref<1x128xi32, #tpu.memory_space<vmem>> -> memref<128xi32, #tpu.memory_space<vmem>>
      %dma_wait3A_495 = arith.constant 0 : i32
      %dma_wait3A_496 = tpu.memref_slice %arg3[%dma_wait3A_495] : memref<160000xi32, #tpu.memory_space<hbm>> -> memref<128xi32, #tpu.memory_space<hbm>>
      %dma_wait3A_497 = arith.constant 0 : i32
      %dma_wait3A_498 = tpu.memref_slice %arg18[%dma_wait3A_491, %dma_wait3A_497] : memref<40x128xi32, #tpu.memory_space<vmem>> -> memref<1x128xi32, #tpu.memory_space<vmem>>
      %dma_wait3A_499 = tpu.memref_squeeze %dma_wait3A_498 : memref<1x128xi32, #tpu.memory_space<vmem>> -> memref<128xi32, #tpu.memory_space<vmem>>
      %dma_wait3A_500 = arith.constant 0 : i32
      %dma_wait3A_501 = tpu.memref_slice %arg3[%dma_wait3A_500] : memref<160000xi32, #tpu.memory_space<hbm>> -> memref<128xi32, #tpu.memory_space<hbm>>
      tpu.wait_dma2 semaphore(%arg21 : memref<!tpu.dma_semaphore, #tpu.memory_space<semaphore_mem>>) src(%dma_wait3A_501 : memref<128xi32, #tpu.memory_space<hbm>>) dst(%dma_wait3A_499 : memref<128xi32, #tpu.memory_space<vmem>>)
    }
    %while3A_73 = arith.constant 1 : i32
    scf.for %while3A_488 = %while3A_71 to %while3A_67 step %while3A_73  : i32 {
      %mul3A_489 = arith.muli %while3A_488, %while3A_63 : i32
      %add3A_490 = arith.addi %while3A_64, %mul3A_489 : i32
      %dma_wait3A_491 = arith.constant 0 : i32
      %dma_wait3A_492 = arith.constant 0 : i32
      %dma_wait3A_493 = tpu.memref_slice %arg18[%dma_wait3A_491, %dma_wait3A_492] : memref<40x128xi32, #tpu.memory_space<vmem>> -> memref<1x128xi32, #tpu.memory_space<vmem>>
      %dma_wait3A_494 = tpu.memref_squeeze %dma_wait3A_493 : memref<1x128xi32, #tpu.memory_space<vmem>> -> memref<128xi32, #tpu.memory_space<vmem>>
      %dma_wait3A_495 = arith.constant 0 : i32
      %dma_wait3A_496 = tpu.memref_slice %arg3[%dma_wait3A_495] : memref<160000xi32, #tpu.memory_space<hbm>> -> memref<128xi32, #tpu.memory_space<hbm>>
      %dma_wait3A_497 = arith.constant 0 : i32
      %dma_wait3A_498 = tpu.memref_slice %arg18[%dma_wait3A_491, %dma_wait3A_497] : memref<40x128xi32, #tpu.memory_space<vmem>> -> memref<1x128xi32, #tpu.memory_space<vmem>>
      %dma_wait3A_499 = tpu.memref_squeeze %dma_wait3A_498 : memref<1x128xi32, #tpu.memory_space<vmem>> -> memref<128xi32, #tpu.memory_space<vmem>>
      %dma_wait3A_500 = arith.constant 0 : i32
      %dma_wait3A_501 = tpu.memref_slice %arg3[%dma_wait3A_500] : memref<160000xi32, #tpu.memory_space<hbm>> -> memref<128xi32, #tpu.memory_space<hbm>>
      tpu.wait_dma2 semaphore(%arg21 : memref<!tpu.dma_semaphore, #tpu.memory_space<semaphore_mem>>) src(%dma_wait3A_501 : memref<128xi32, #tpu.memory_space<hbm>>) dst(%dma_wait3A_499 : memref<128xi32, #tpu.memory_space<vmem>>)
    }
    %iota3A = tpu.iota {dimensions = array<i32: 0>} : vector<16xi32>
    %mul3A_74 = arith.constant 128 : i32
    %mul3A_75 = arith.muli %add3A, %mul3A_74 : i32
    %add3A_76 = arith.constant 0 : i32
    %add3A_77 = arith.addi %mul3A_75, %add3A_76 : i32
    %mul3A_78 = arith.constant 2 : i32
    %mul3A_79 = arith.muli %mul3A_78, %add3A_77 : i32
    %mul3A_80 = arith.constant 2 : i32
    %mul3A_81 = vector.broadcast %mul3A_80 : i32 to vector<16xi32>
    %mul3A_82 = arith.muli %mul3A_81, %iota3A : vector<16xi32>
    %add3A_83 = vector.broadcast %mul3A_79 : i32 to vector<16xi32>
    %add3A_84 = arith.addi %add3A_83, %mul3A_82 : vector<16xi32>
    %swap3A = arith.constant 0 : index
    %swap3A_85 = tpu.vector_load %arg15[%swap3A] {strides = array<i32>} : memref<128xi32, #tpu.memory_space<vmem>>, vector<16xi32>,
    tpu.vector_store %arg15[%swap3A], %add3A_84 {strides = array<i32>} : memref<128xi32, #tpu.memory_space<vmem>>, vector<16xi32>,
    %add3A_86 = arith.constant 32 : i32
    %add3A_87 = arith.addi %add3A_86, %add3A : i32
    %mul3A_88 = arith.constant 128 : i32
    %mul3A_89 = arith.muli %add3A_87, %mul3A_88 : i32
    %add3A_90 = arith.constant 0 : i32
    %add3A_91 = arith.addi %mul3A_89, %add3A_90 : i32
    %mul3A_92 = arith.constant 2 : i32
    %mul3A_93 = arith.muli %mul3A_92, %add3A_91 : i32
    %mul3A_94 = arith.constant 2 : i32
    %mul3A_95 = vector.broadcast %mul3A_94 : i32 to vector<16xi32>
    %mul3A_96 = arith.muli %mul3A_95, %iota3A : vector<16xi32>
    %add3A_97 = vector.broadcast %mul3A_93 : i32 to vector<16xi32>
    %add3A_98 = arith.addi %add3A_97, %mul3A_96 : vector<16xi32>
    %swap3A_99 = arith.constant 0 : index
    %swap3A_100 = tpu.vector_load %arg16[%swap3A_99] {strides = array<i32>} : memref<128xi32, #tpu.memory_space<vmem>>, vector<16xi32>,
    tpu.vector_store %arg16[%swap3A_99], %add3A_98 {strides = array<i32>} : memref<128xi32, #tpu.memory_space<vmem>>, vector<16xi32>,
    %add3A_101 = arith.constant 64 : i32
    %add3A_102 = arith.addi %add3A_101, %add3A : i32
    %mul3A_103 = arith.constant 128 : i32
    %mul3A_104 = arith.muli %add3A_102, %mul3A_103 : i32
    %add3A_105 = arith.constant 0 : i32
    %add3A_106 = arith.addi %mul3A_104, %add3A_105 : i32
    %mul3A_107 = arith.constant 2 : i32
    %mul3A_108 = arith.muli %mul3A_107, %add3A_106 : i32
    %mul3A_109 = arith.constant 2 : i32
    %mul3A_110 = vector.broadcast %mul3A_109 : i32 to vector<16xi32>
    %mul3A_111 = arith.muli %mul3A_110, %iota3A : vector<16xi32>
    %add3A_112 = vector.broadcast %mul3A_108 : i32 to vector<16xi32>
    %add3A_113 = arith.addi %add3A_112, %mul3A_111 : vector<16xi32>
    %swap3A_114 = arith.constant 0 : index
    %swap3A_115 = tpu.vector_load %arg17[%swap3A_114] {strides = array<i32>} : memref<128xi32, #tpu.memory_space<vmem>>, vector<16xi32>,
    tpu.vector_store %arg17[%swap3A_114], %add3A_113 {strides = array<i32>} : memref<128xi32, #tpu.memory_space<vmem>>, vector<16xi32>,
    %mul3A_116 = arith.constant 128 : i32
    %mul3A_117 = arith.muli %add3A, %mul3A_116 : i32
    %add3A_118 = arith.constant 16 : i32
    %add3A_119 = arith.addi %mul3A_117, %add3A_118 : i32
    %mul3A_120 = arith.constant 2 : i32
    %mul3A_121 = arith.muli %mul3A_120, %add3A_119 : i32
    %mul3A_122 = arith.constant 2 : i32
    %mul3A_123 = vector.broadcast %mul3A_122 : i32 to vector<16xi32>
    %mul3A_124 = arith.muli %mul3A_123, %iota3A : vector<16xi32>
    %add3A_125 = vector.broadcast %mul3A_121 : i32 to vector<16xi32>
    %add3A_126 = arith.addi %add3A_125, %mul3A_124 : vector<16xi32>
    %swap3A_127 = arith.constant 16 : index
    %swap3A_128 = tpu.vector_load %arg15[%swap3A_127] {strides = array<i32>} : memref<128xi32, #tpu.memory_space<vmem>>, vector<16xi32>,
    tpu.vector_store %arg15[%swap3A_127], %add3A_126 {strides = array<i32>} : memref<128xi32, #tpu.memory_space<vmem>>, vector<16xi32>,
    %add3A_129 = arith.constant 32 : i32
    %add3A_130 = arith.addi %add3A_129, %add3A : i32
    %mul3A_131 = arith.constant 128 : i32
    %mul3A_132 = arith.muli %add3A_130, %mul3A_131 : i32
    %add3A_133 = arith.constant 16 : i32
    %add3A_134 = arith.addi %mul3A_132, %add3A_133 : i32
    %mul3A_135 = arith.constant 2 : i32
    %mul3A_136 = arith.muli %mul3A_135, %add3A_134 : i32
    %mul3A_137 = arith.constant 2 : i32
    %mul3A_138 = vector.broadcast %mul3A_137 : i32 to vector<16xi32>
    %mul3A_139 = arith.muli %mul3A_138, %iota3A : vector<16xi32>
    %add3A_140 = vector.broadcast %mul3A_136 : i32 to vector<16xi32>
    %add3A_141 = arith.addi %add3A_140, %mul3A_139 : vector<16xi32>
    %swap3A_142 = arith.constant 16 : index
    %swap3A_143 = tpu.vector_load %arg16[%swap3A_142] {strides = array<i32>} : memref<128xi32, #tpu.memory_space<vmem>>, vector<16xi32>,
    tpu.vector_store %arg16[%swap3A_142], %add3A_141 {strides = array<i32>} : memref<128xi32, #tpu.memory_space<vmem>>, vector<16xi32>,
    %add3A_144 = arith.constant 64 : i32
    %add3A_145 = arith.addi %add3A_144, %add3A : i32
    %mul3A_146 = arith.constant 128 : i32
    %mul3A_147 = arith.muli %add3A_145, %mul3A_146 : i32
    %add3A_148 = arith.constant 16 : i32
    %add3A_149 = arith.addi %mul3A_147, %add3A_148 : i32
    %mul3A_150 = arith.constant 2 : i32
    %mul3A_151 = arith.muli %mul3A_150, %add3A_149 : i32
    %mul3A_152 = arith.constant 2 : i32
    %mul3A_153 = vector.broadcast %mul3A_152 : i32 to vector<16xi32>
    %mul3A_154 = arith.muli %mul3A_153, %iota3A : vector<16xi32>
    %add3A_155 = vector.broadcast %mul3A_151 : i32 to vector<16xi32>
    %add3A_156 = arith.addi %add3A_155, %mul3A_154 : vector<16xi32>
    %swap3A_157 = arith.constant 16 : index
    %swap3A_158 = tpu.vector_load %arg17[%swap3A_157] {strides = array<i32>} : memref<128xi32, #tpu.memory_space<vmem>>, vector<16xi32>,
    tpu.vector_store %arg17[%swap3A_157], %add3A_156 {strides = array<i32>} : memref<128xi32, #tpu.memory_space<vmem>>, vector<16xi32>,
    %mul3A_159 = arith.constant 128 : i32
    %mul3A_160 = arith.muli %add3A, %mul3A_159 : i32
    %add3A_161 = arith.constant 32 : i32
    %add3A_162 = arith.addi %mul3A_160, %add3A_161 : i32
    %mul3A_163 = arith.constant 2 : i32
    %mul3A_164 = arith.muli %mul3A_163, %add3A_162 : i32
    %mul3A_165 = arith.constant 2 : i32
    %mul3A_166 = vector.broadcast %mul3A_165 : i32 to vector<16xi32>
    %mul3A_167 = arith.muli %mul3A_166, %iota3A : vector<16xi32>
    %add3A_168 = vector.broadcast %mul3A_164 : i32 to vector<16xi32>
    %add3A_169 = arith.addi %add3A_168, %mul3A_167 : vector<16xi32>
    %swap3A_170 = arith.constant 32 : index
    %swap3A_171 = tpu.vector_load %arg15[%swap3A_170] {strides = array<i32>} : memref<128xi32, #tpu.memory_space<vmem>>, vector<16xi32>,
    tpu.vector_store %arg15[%swap3A_170], %add3A_169 {strides = array<i32>} : memref<128xi32, #tpu.memory_space<vmem>>, vector<16xi32>,
    %add3A_172 = arith.constant 32 : i32
    %add3A_173 = arith.addi %add3A_172, %add3A : i32
    %mul3A_174 = arith.constant 128 : i32
    %mul3A_175 = arith.muli %add3A_173, %mul3A_174 : i32
    %add3A_176 = arith.constant 32 : i32
    %add3A_177 = arith.addi %mul3A_175, %add3A_176 : i32
    %mul3A_178 = arith.constant 2 : i32
    %mul3A_179 = arith.muli %mul3A_178, %add3A_177 : i32
    %mul3A_180 = arith.constant 2 : i32
    %mul3A_181 = vector.broadcast %mul3A_180 : i32 to vector<16xi32>
    %mul3A_182 = arith.muli %mul3A_181, %iota3A : vector<16xi32>
    %add3A_183 = vector.broadcast %mul3A_179 : i32 to vector<16xi32>
    %add3A_184 = arith.addi %add3A_183, %mul3A_182 : vector<16xi32>
    %swap3A_185 = arith.constant 32 : index
    %swap3A_186 = tpu.vector_load %arg16[%swap3A_185] {strides = array<i32>} : memref<128xi32, #tpu.memory_space<vmem>>, vector<16xi32>,
    tpu.vector_store %arg16[%swap3A_185], %add3A_184 {strides = array<i32>} : memref<128xi32, #tpu.memory_space<vmem>>, vector<16xi32>,
    %add3A_187 = arith.constant 64 : i32
    %add3A_188 = arith.addi %add3A_187, %add3A : i32
    %mul3A_189 = arith.constant 128 : i32
    %mul3A_190 = arith.muli %add3A_188, %mul3A_189 : i32
    %add3A_191 = arith.constant 32 : i32
    %add3A_192 = arith.addi %mul3A_190, %add3A_191 : i32
    %mul3A_193 = arith.constant 2 : i32
    %mul3A_194 = arith.muli %mul3A_193, %add3A_192 : i32
    %mul3A_195 = arith.constant 2 : i32
    %mul3A_196 = vector.broadcast %mul3A_195 : i32 to vector<16xi32>
    %mul3A_197 = arith.muli %mul3A_196, %iota3A : vector<16xi32>
    %add3A_198 = vector.broadcast %mul3A_194 : i32 to vector<16xi32>
    %add3A_199 = arith.addi %add3A_198, %mul3A_197 : vector<16xi32>
    %swap3A_200 = arith.constant 32 : index
    %swap3A_201 = tpu.vector_load %arg17[%swap3A_200] {strides = array<i32>} : memref<128xi32, #tpu.memory_space<vmem>>, vector<16xi32>,
    tpu.vector_store %arg17[%swap3A_200], %add3A_199 {strides = array<i32>} : memref<128xi32, #tpu.memory_space<vmem>>, vector<16xi32>,
    %mul3A_202 = arith.constant 128 : i32
    %mul3A_203 = arith.muli %add3A, %mul3A_202 : i32
    %add3A_204 = arith.constant 48 : i32
    %add3A_205 = arith.addi %mul3A_203, %add3A_204 : i32
    %mul3A_206 = arith.constant 2 : i32
    %mul3A_207 = arith.muli %mul3A_206, %add3A_205 : i32
    %mul3A_208 = arith.constant 2 : i32
    %mul3A_209 = vector.broadcast %mul3A_208 : i32 to vector<16xi32>
    %mul3A_210 = arith.muli %mul3A_209, %iota3A : vector<16xi32>
    %add3A_211 = vector.broadcast %mul3A_207 : i32 to vector<16xi32>
    %add3A_212 = arith.addi %add3A_211, %mul3A_210 : vector<16xi32>
    %swap3A_213 = arith.constant 48 : index
    %swap3A_214 = tpu.vector_load %arg15[%swap3A_213] {strides = array<i32>} : memref<128xi32, #tpu.memory_space<vmem>>, vector<16xi32>,
    tpu.vector_store %arg15[%swap3A_213], %add3A_212 {strides = array<i32>} : memref<128xi32, #tpu.memory_space<vmem>>, vector<16xi32>,
    %add3A_215 = arith.constant 32 : i32
    %add3A_216 = arith.addi %add3A_215, %add3A : i32
    %mul3A_217 = arith.constant 128 : i32
    %mul3A_218 = arith.muli %add3A_216, %mul3A_217 : i32
    %add3A_219 = arith.constant 48 : i32
    %add3A_220 = arith.addi %mul3A_218, %add3A_219 : i32
    %mul3A_221 = arith.constant 2 : i32
    %mul3A_222 = arith.muli %mul3A_221, %add3A_220 : i32
    %mul3A_223 = arith.constant 2 : i32
    %mul3A_224 = vector.broadcast %mul3A_223 : i32 to vector<16xi32>
    %mul3A_225 = arith.muli %mul3A_224, %iota3A : vector<16xi32>
    %add3A_226 = vector.broadcast %mul3A_222 : i32 to vector<16xi32>
    %add3A_227 = arith.addi %add3A_226, %mul3A_225 : vector<16xi32>
    %swap3A_228 = arith.constant 48 : index
    %swap3A_229 = tpu.vector_load %arg16[%swap3A_228] {strides = array<i32>} : memref<128xi32, #tpu.memory_space<vmem>>, vector<16xi32>,
    tpu.vector_store %arg16[%swap3A_228], %add3A_227 {strides = array<i32>} : memref<128xi32, #tpu.memory_space<vmem>>, vector<16xi32>,
    %add3A_230 = arith.constant 64 : i32
    %add3A_231 = arith.addi %add3A_230, %add3A : i32
    %mul3A_232 = arith.constant 128 : i32
    %mul3A_233 = arith.muli %add3A_231, %mul3A_232 : i32
    %add3A_234 = arith.constant 48 : i32
    %add3A_235 = arith.addi %mul3A_233, %add3A_234 : i32
    %mul3A_236 = arith.constant 2 : i32
    %mul3A_237 = arith.muli %mul3A_236, %add3A_235 : i32
    %mul3A_238 = arith.constant 2 : i32
    %mul3A_239 = vector.broadcast %mul3A_238 : i32 to vector<16xi32>
    %mul3A_240 = arith.muli %mul3A_239, %iota3A : vector<16xi32>
    %add3A_241 = vector.broadcast %mul3A_237 : i32 to vector<16xi32>
    %add3A_242 = arith.addi %add3A_241, %mul3A_240 : vector<16xi32>
    %swap3A_243 = arith.constant 48 : index
    %swap3A_244 = tpu.vector_load %arg17[%swap3A_243] {strides = array<i32>} : memref<128xi32, #tpu.memory_space<vmem>>, vector<16xi32>,
    tpu.vector_store %arg17[%swap3A_243], %add3A_242 {strides = array<i32>} : memref<128xi32, #tpu.memory_space<vmem>>, vector<16xi32>,
    %mul3A_245 = arith.constant 128 : i32
    %mul3A_246 = arith.muli %add3A, %mul3A_245 : i32
    %add3A_247 = arith.constant 64 : i32
    %add3A_248 = arith.addi %mul3A_246, %add3A_247 : i32
    %mul3A_249 = arith.constant 2 : i32
    %mul3A_250 = arith.muli %mul3A_249, %add3A_248 : i32
    %mul3A_251 = arith.constant 2 : i32
    %mul3A_252 = vector.broadcast %mul3A_251 : i32 to vector<16xi32>
    %mul3A_253 = arith.muli %mul3A_252, %iota3A : vector<16xi32>
    %add3A_254 = vector.broadcast %mul3A_250 : i32 to vector<16xi32>
    %add3A_255 = arith.addi %add3A_254, %mul3A_253 : vector<16xi32>
    %swap3A_256 = arith.constant 64 : index
    %swap3A_257 = tpu.vector_load %arg15[%swap3A_256] {strides = array<i32>} : memref<128xi32, #tpu.memory_space<vmem>>, vector<16xi32>,
    tpu.vector_store %arg15[%swap3A_256], %add3A_255 {strides = array<i32>} : memref<128xi32, #tpu.memory_space<vmem>>, vector<16xi32>,
    %add3A_258 = arith.constant 32 : i32
    %add3A_259 = arith.addi %add3A_258, %add3A : i32
    %mul3A_260 = arith.constant 128 : i32
    %mul3A_261 = arith.muli %add3A_259, %mul3A_260 : i32
    %add3A_262 = arith.constant 64 : i32
    %add3A_263 = arith.addi %mul3A_261, %add3A_262 : i32
    %mul3A_264 = arith.constant 2 : i32
    %mul3A_265 = arith.muli %mul3A_264, %add3A_263 : i32
    %mul3A_266 = arith.constant 2 : i32
    %mul3A_267 = vector.broadcast %mul3A_266 : i32 to vector<16xi32>
    %mul3A_268 = arith.muli %mul3A_267, %iota3A : vector<16xi32>
    %add3A_269 = vector.broadcast %mul3A_265 : i32 to vector<16xi32>
    %add3A_270 = arith.addi %add3A_269, %mul3A_268 : vector<16xi32>
    %swap3A_271 = arith.constant 64 : index
    %swap3A_272 = tpu.vector_load %arg16[%swap3A_271] {strides = array<i32>} : memref<128xi32, #tpu.memory_space<vmem>>, vector<16xi32>,
    tpu.vector_store %arg16[%swap3A_271], %add3A_270 {strides = array<i32>} : memref<128xi32, #tpu.memory_space<vmem>>, vector<16xi32>,
    %add3A_273 = arith.constant 64 : i32
    %add3A_274 = arith.addi %add3A_273, %add3A : i32
    %mul3A_275 = arith.constant 128 : i32
    %mul3A_276 = arith.muli %add3A_274, %mul3A_275 : i32
    %add3A_277 = arith.constant 64 : i32
    %add3A_278 = arith.addi %mul3A_276, %add3A_277 : i32
    %mul3A_279 = arith.constant 2 : i32
    %mul3A_280 = arith.muli %mul3A_279, %add3A_278 : i32
    %mul3A_281 = arith.constant 2 : i32
    %mul3A_282 = vector.broadcast %mul3A_281 : i32 to vector<16xi32>
    %mul3A_283 = arith.muli %mul3A_282, %iota3A : vector<16xi32>
    %add3A_284 = vector.broadcast %mul3A_280 : i32 to vector<16xi32>
    %add3A_285 = arith.addi %add3A_284, %mul3A_283 : vector<16xi32>
    %swap3A_286 = arith.constant 64 : index
    %swap3A_287 = tpu.vector_load %arg17[%swap3A_286] {strides = array<i32>} : memref<128xi32, #tpu.memory_space<vmem>>, vector<16xi32>,
    tpu.vector_store %arg17[%swap3A_286], %add3A_285 {strides = array<i32>} : memref<128xi32, #tpu.memory_space<vmem>>, vector<16xi32>,
    %mul3A_288 = arith.constant 128 : i32
    %mul3A_289 = arith.muli %add3A, %mul3A_288 : i32
    %add3A_290 = arith.constant 80 : i32
    %add3A_291 = arith.addi %mul3A_289, %add3A_290 : i32
    %mul3A_292 = arith.constant 2 : i32
    %mul3A_293 = arith.muli %mul3A_292, %add3A_291 : i32
    %mul3A_294 = arith.constant 2 : i32
    %mul3A_295 = vector.broadcast %mul3A_294 : i32 to vector<16xi32>
    %mul3A_296 = arith.muli %mul3A_295, %iota3A : vector<16xi32>
    %add3A_297 = vector.broadcast %mul3A_293 : i32 to vector<16xi32>
    %add3A_298 = arith.addi %add3A_297, %mul3A_296 : vector<16xi32>
    %swap3A_299 = arith.constant 80 : index
    %swap3A_300 = tpu.vector_load %arg15[%swap3A_299] {strides = array<i32>} : memref<128xi32, #tpu.memory_space<vmem>>, vector<16xi32>,
    tpu.vector_store %arg15[%swap3A_299], %add3A_298 {strides = array<i32>} : memref<128xi32, #tpu.memory_space<vmem>>, vector<16xi32>,
    %add3A_301 = arith.constant 32 : i32
    %add3A_302 = arith.addi %add3A_301, %add3A : i32
    %mul3A_303 = arith.constant 128 : i32
    %mul3A_304 = arith.muli %add3A_302, %mul3A_303 : i32
    %add3A_305 = arith.constant 80 : i32
    %add3A_306 = arith.addi %mul3A_304, %add3A_305 : i32
    %mul3A_307 = arith.constant 2 : i32
    %mul3A_308 = arith.muli %mul3A_307, %add3A_306 : i32
    %mul3A_309 = arith.constant 2 : i32
    %mul3A_310 = vector.broadcast %mul3A_309 : i32 to vector<16xi32>
    %mul3A_311 = arith.muli %mul3A_310, %iota3A : vector<16xi32>
    %add3A_312 = vector.broadcast %mul3A_308 : i32 to vector<16xi32>
    %add3A_313 = arith.addi %add3A_312, %mul3A_311 : vector<16xi32>
    %swap3A_314 = arith.constant 80 : index
    %swap3A_315 = tpu.vector_load %arg16[%swap3A_314] {strides = array<i32>} : memref<128xi32, #tpu.memory_space<vmem>>, vector<16xi32>,
    tpu.vector_store %arg16[%swap3A_314], %add3A_313 {strides = array<i32>} : memref<128xi32, #tpu.memory_space<vmem>>, vector<16xi32>,
    %add3A_316 = arith.constant 64 : i32
    %add3A_317 = arith.addi %add3A_316, %add3A : i32
    %mul3A_318 = arith.constant 128 : i32
    %mul3A_319 = arith.muli %add3A_317, %mul3A_318 : i32
    %add3A_320 = arith.constant 80 : i32
    %add3A_321 = arith.addi %mul3A_319, %add3A_320 : i32
    %mul3A_322 = arith.constant 2 : i32
    %mul3A_323 = arith.muli %mul3A_322, %add3A_321 : i32
    %mul3A_324 = arith.constant 2 : i32
    %mul3A_325 = vector.broadcast %mul3A_324 : i32 to vector<16xi32>
    %mul3A_326 = arith.muli %mul3A_325, %iota3A : vector<16xi32>
    %add3A_327 = vector.broadcast %mul3A_323 : i32 to vector<16xi32>
    %add3A_328 = arith.addi %add3A_327, %mul3A_326 : vector<16xi32>
    %swap3A_329 = arith.constant 80 : index
    %swap3A_330 = tpu.vector_load %arg17[%swap3A_329] {strides = array<i32>} : memref<128xi32, #tpu.memory_space<vmem>>, vector<16xi32>,
    tpu.vector_store %arg17[%swap3A_329], %add3A_328 {strides = array<i32>} : memref<128xi32, #tpu.memory_space<vmem>>, vector<16xi32>,
    %mul3A_331 = arith.constant 128 : i32
    %mul3A_332 = arith.muli %add3A, %mul3A_331 : i32
    %add3A_333 = arith.constant 96 : i32
    %add3A_334 = arith.addi %mul3A_332, %add3A_333 : i32
    %mul3A_335 = arith.constant 2 : i32
    %mul3A_336 = arith.muli %mul3A_335, %add3A_334 : i32
    %mul3A_337 = arith.constant 2 : i32
    %mul3A_338 = vector.broadcast %mul3A_337 : i32 to vector<16xi32>
    %mul3A_339 = arith.muli %mul3A_338, %iota3A : vector<16xi32>
    %add3A_340 = vector.broadcast %mul3A_336 : i32 to vector<16xi32>
    %add3A_341 = arith.addi %add3A_340, %mul3A_339 : vector<16xi32>
    %swap3A_342 = arith.constant 96 : index
    %swap3A_343 = tpu.vector_load %arg15[%swap3A_342] {strides = array<i32>} : memref<128xi32, #tpu.memory_space<vmem>>, vector<16xi32>,
    tpu.vector_store %arg15[%swap3A_342], %add3A_341 {strides = array<i32>} : memref<128xi32, #tpu.memory_space<vmem>>, vector<16xi32>,
    %add3A_344 = arith.constant 32 : i32
    %add3A_345 = arith.addi %add3A_344, %add3A : i32
    %mul3A_346 = arith.constant 128 : i32
    %mul3A_347 = arith.muli %add3A_345, %mul3A_346 : i32
    %add3A_348 = arith.constant 96 : i32
    %add3A_349 = arith.addi %mul3A_347, %add3A_348 : i32
    %mul3A_350 = arith.constant 2 : i32
    %mul3A_351 = arith.muli %mul3A_350, %add3A_349 : i32
    %mul3A_352 = arith.constant 2 : i32
    %mul3A_353 = vector.broadcast %mul3A_352 : i32 to vector<16xi32>
    %mul3A_354 = arith.muli %mul3A_353, %iota3A : vector<16xi32>
    %add3A_355 = vector.broadcast %mul3A_351 : i32 to vector<16xi32>
    %add3A_356 = arith.addi %add3A_355, %mul3A_354 : vector<16xi32>
    %swap3A_357 = arith.constant 96 : index
    %swap3A_358 = tpu.vector_load %arg16[%swap3A_357] {strides = array<i32>} : memref<128xi32, #tpu.memory_space<vmem>>, vector<16xi32>,
    tpu.vector_store %arg16[%swap3A_357], %add3A_356 {strides = array<i32>} : memref<128xi32, #tpu.memory_space<vmem>>, vector<16xi32>,
    %add3A_359 = arith.constant 64 : i32
    %add3A_360 = arith.addi %add3A_359, %add3A : i32
    %mul3A_361 = arith.constant 128 : i32
    %mul3A_362 = arith.muli %add3A_360, %mul3A_361 : i32
    %add3A_363 = arith.constant 96 : i32
    %add3A_364 = arith.addi %mul3A_362, %add3A_363 : i32
    %mul3A_365 = arith.constant 2 : i32
    %mul3A_366 = arith.muli %mul3A_365, %add3A_364 : i32
    %mul3A_367 = arith.constant 2 : i32
    %mul3A_368 = vector.broadcast %mul3A_367 : i32 to vector<16xi32>
    %mul3A_369 = arith.muli %mul3A_368, %iota3A : vector<16xi32>
    %add3A_370 = vector.broadcast %mul3A_366 : i32 to vector<16xi32>
    %add3A_371 = arith.addi %add3A_370, %mul3A_369 : vector<16xi32>
    %swap3A_372 = arith.constant 96 : index
    %swap3A_373 = tpu.vector_load %arg17[%swap3A_372] {strides = array<i32>} : memref<128xi32, #tpu.memory_space<vmem>>, vector<16xi32>,
    tpu.vector_store %arg17[%swap3A_372], %add3A_371 {strides = array<i32>} : memref<128xi32, #tpu.memory_space<vmem>>, vector<16xi32>,
    %mul3A_374 = arith.constant 128 : i32
    %mul3A_375 = arith.muli %add3A, %mul3A_374 : i32
    %add3A_376 = arith.constant 112 : i32
    %add3A_377 = arith.addi %mul3A_375, %add3A_376 : i32
    %mul3A_378 = arith.constant 2 : i32
    %mul3A_379 = arith.muli %mul3A_378, %add3A_377 : i32
    %mul3A_380 = arith.constant 2 : i32
    %mul3A_381 = vector.broadcast %mul3A_380 : i32 to vector<16xi32>
    %mul3A_382 = arith.muli %mul3A_381, %iota3A : vector<16xi32>
    %add3A_383 = vector.broadcast %mul3A_379 : i32 to vector<16xi32>
    %add3A_384 = arith.addi %add3A_383, %mul3A_382 : vector<16xi32>
    %swap3A_385 = arith.constant 112 : index
    %swap3A_386 = tpu.vector_load %arg15[%swap3A_385] {strides = array<i32>} : memref<128xi32, #tpu.memory_space<vmem>>, vector<16xi32>,
    tpu.vector_store %arg15[%swap3A_385], %add3A_384 {strides = array<i32>} : memref<128xi32, #tpu.memory_space<vmem>>, vector<16xi32>,
    %add3A_387 = arith.constant 32 : i32
    %add3A_388 = arith.addi %add3A_387, %add3A : i32
    %mul3A_389 = arith.constant 128 : i32
    %mul3A_390 = arith.muli %add3A_388, %mul3A_389 : i32
    %add3A_391 = arith.constant 112 : i32
    %add3A_392 = arith.addi %mul3A_390, %add3A_391 : i32
    %mul3A_393 = arith.constant 2 : i32
    %mul3A_394 = arith.muli %mul3A_393, %add3A_392 : i32
    %mul3A_395 = arith.constant 2 : i32
    %mul3A_396 = vector.broadcast %mul3A_395 : i32 to vector<16xi32>
    %mul3A_397 = arith.muli %mul3A_396, %iota3A : vector<16xi32>
    %add3A_398 = vector.broadcast %mul3A_394 : i32 to vector<16xi32>
    %add3A_399 = arith.addi %add3A_398, %mul3A_397 : vector<16xi32>
    %swap3A_400 = arith.constant 112 : index
    %swap3A_401 = tpu.vector_load %arg16[%swap3A_400] {strides = array<i32>} : memref<128xi32, #tpu.memory_space<vmem>>, vector<16xi32>,
    tpu.vector_store %arg16[%swap3A_400], %add3A_399 {strides = array<i32>} : memref<128xi32, #tpu.memory_space<vmem>>, vector<16xi32>,
    %add3A_402 = arith.constant 64 : i32
    %add3A_403 = arith.addi %add3A_402, %add3A : i32
    %mul3A_404 = arith.constant 128 : i32
    %mul3A_405 = arith.muli %add3A_403, %mul3A_404 : i32
    %add3A_406 = arith.constant 112 : i32
    %add3A_407 = arith.addi %mul3A_405, %add3A_406 : i32
    %mul3A_408 = arith.constant 2 : i32
    %mul3A_409 = arith.muli %mul3A_408, %add3A_407 : i32
    %mul3A_410 = arith.constant 2 : i32
    %mul3A_411 = vector.broadcast %mul3A_410 : i32 to vector<16xi32>
    %mul3A_412 = arith.muli %mul3A_411, %iota3A : vector<16xi32>
    %add3A_413 = vector.broadcast %mul3A_409 : i32 to vector<16xi32>
    %add3A_414 = arith.addi %add3A_413, %mul3A_412 : vector<16xi32>
    %swap3A_415 = arith.constant 112 : index
    %swap3A_416 = tpu.vector_load %arg17[%swap3A_415] {strides = array<i32>} : memref<128xi32, #tpu.memory_space<vmem>>, vector<16xi32>,
    tpu.vector_store %arg17[%swap3A_415], %add3A_414 {strides = array<i32>} : memref<128xi32, #tpu.memory_space<vmem>>, vector<16xi32>,
    %sub3A_417 = arith.constant 0 : i32
    %sub3A_418 = arith.subi %add3A_11, %sub3A_417 : i32
    %sub3A_419 = arith.constant 1 : i32
    %sub3A_420 = arith.constant 1 : i32
    %sub3A_421 = arith.subi %sub3A_419, %sub3A_420 : i32
    %add3A_422 = arith.addi %sub3A_418, %sub3A_421 : i32
    %div3A_423 = arith.constant 1 : i32
    %div3A_424 = arith.divsi %add3A_422, %div3A_423 : i32
    %while3A_425 = arith.constant 1 : i32
    %while3A_426 = arith.constant 0 : i32
    %while3A_427 = arith.constant 0 : i32
    %while3A_428 = arith.subi %div3A_424, %while3A_427 : i32
    %while3A_429 = arith.addi %while3A_427, %while3A_428 : i32
    %while3A_430 = arith.constant 1 : i32
    %while3A_431 = arith.divsi %while3A_428, %while3A_430 : i32
    %while3A_432 = arith.muli %while3A_431, %while3A_430 : i32
    %while3A_433 = arith.addi %while3A_427, %while3A_432 : i32
    %while3A_434 = arith.constant 1 : i32
    scf.for %while3A_488 = %while3A_427 to %while3A_433 step %while3A_434  : i32 {
      %mul3A_489 = arith.muli %while3A_488, %while3A_425 : i32
      %add3A_490 = arith.addi %while3A_426, %mul3A_489 : i32
      %dma_wait3A_491 = arith.constant 0 : i32
      %dma_wait3A_492 = arith.constant 0 : i32
      %dma_wait3A_493 = tpu.memref_slice %arg19[%dma_wait3A_491, %dma_wait3A_492] : memref<4x80xi32, #tpu.memory_space<vmem>> -> memref<1x80xi32, #tpu.memory_space<vmem>>
      %dma_wait3A_494 = tpu.memref_squeeze %dma_wait3A_493 : memref<1x80xi32, #tpu.memory_space<vmem>> -> memref<80xi32, #tpu.memory_space<vmem>>
      %dma_wait3A_495 = arith.constant 0 : i32
      %dma_wait3A_496 = tpu.memref_slice %arg5[%dma_wait3A_495] : memref<10000xi32, #tpu.memory_space<hbm>> -> memref<80xi32, #tpu.memory_space<hbm>>
      %dma_wait3A_497 = arith.constant 0 : i32
      %dma_wait3A_498 = tpu.memref_slice %arg19[%dma_wait3A_491, %dma_wait3A_497] : memref<4x80xi32, #tpu.memory_space<vmem>> -> memref<1x80xi32, #tpu.memory_space<vmem>>
      %dma_wait3A_499 = tpu.memref_squeeze %dma_wait3A_498 : memref<1x80xi32, #tpu.memory_space<vmem>> -> memref<80xi32, #tpu.memory_space<vmem>>
      %dma_wait3A_500 = arith.constant 0 : i32
      %dma_wait3A_501 = tpu.memref_slice %arg5[%dma_wait3A_500] : memref<10000xi32, #tpu.memory_space<hbm>> -> memref<80xi32, #tpu.memory_space<hbm>>
      tpu.wait_dma2 semaphore(%arg21 : memref<!tpu.dma_semaphore, #tpu.memory_space<semaphore_mem>>) src(%dma_wait3A_501 : memref<80xi32, #tpu.memory_space<hbm>>) dst(%dma_wait3A_499 : memref<80xi32, #tpu.memory_space<vmem>>)
    }
    %while3A_435 = arith.constant 1 : i32
    scf.for %while3A_488 = %while3A_433 to %while3A_429 step %while3A_435  : i32 {
      %mul3A_489 = arith.muli %while3A_488, %while3A_425 : i32
      %add3A_490 = arith.addi %while3A_426, %mul3A_489 : i32
      %dma_wait3A_491 = arith.constant 0 : i32
      %dma_wait3A_492 = arith.constant 0 : i32
      %dma_wait3A_493 = tpu.memref_slice %arg19[%dma_wait3A_491, %dma_wait3A_492] : memref<4x80xi32, #tpu.memory_space<vmem>> -> memref<1x80xi32, #tpu.memory_space<vmem>>
      %dma_wait3A_494 = tpu.memref_squeeze %dma_wait3A_493 : memref<1x80xi32, #tpu.memory_space<vmem>> -> memref<80xi32, #tpu.memory_space<vmem>>
      %dma_wait3A_495 = arith.constant 0 : i32
      %dma_wait3A_496 = tpu.memref_slice %arg5[%dma_wait3A_495] : memref<10000xi32, #tpu.memory_space<hbm>> -> memref<80xi32, #tpu.memory_space<hbm>>
      %dma_wait3A_497 = arith.constant 0 : i32
      %dma_wait3A_498 = tpu.memref_slice %arg19[%dma_wait3A_491, %dma_wait3A_497] : memref<4x80xi32, #tpu.memory_space<vmem>> -> memref<1x80xi32, #tpu.memory_space<vmem>>
      %dma_wait3A_499 = tpu.memref_squeeze %dma_wait3A_498 : memref<1x80xi32, #tpu.memory_space<vmem>> -> memref<80xi32, #tpu.memory_space<vmem>>
      %dma_wait3A_500 = arith.constant 0 : i32
      %dma_wait3A_501 = tpu.memref_slice %arg5[%dma_wait3A_500] : memref<10000xi32, #tpu.memory_space<hbm>> -> memref<80xi32, #tpu.memory_space<hbm>>
      tpu.wait_dma2 semaphore(%arg21 : memref<!tpu.dma_semaphore, #tpu.memory_space<semaphore_mem>>) src(%dma_wait3A_501 : memref<80xi32, #tpu.memory_space<hbm>>) dst(%dma_wait3A_499 : memref<80xi32, #tpu.memory_space<vmem>>)
    }
    %barrier3A = arith.constant 0 : index
    tpu.barrier barrier_id(%barrier3A)
    %dma_start3A = arith.constant 0 : i32
    %dma_start3A_436 = arith.constant 0 : i32
    %dma_start3A_437 = tpu.memref_slice %arg2[%dma_start3A, %dma_start3A_436] : memref<320000x128xf32, #tpu.memory_space<hbm>> -> memref<320000x128xf32, #tpu.memory_space<hbm>>
    tpu.enqueue_indirect_dma source(%dma_start3A_437 : memref<320000x128xf32, #tpu.memory_space<hbm>>) target(%arg10 : memref<128x128xf32, #tpu.memory_space<vmem>>) offsets(%arg15 : memref<128xi32, #tpu.memory_space<vmem>>) semaphore(%arg22 : memref<!tpu.dma_semaphore, #tpu.memory_space<semaphore_mem>>)
    %dma_start3A_438 = arith.constant 0 : i32
    %dma_start3A_439 = arith.constant 0 : i32
    %dma_start3A_440 = tpu.memref_slice %arg2[%dma_start3A_438, %dma_start3A_439] : memref<320000x128xf32, #tpu.memory_space<hbm>> -> memref<320000x128xf32, #tpu.memory_space<hbm>>
    tpu.enqueue_indirect_dma source(%dma_start3A_440 : memref<320000x128xf32, #tpu.memory_space<hbm>>) target(%arg11 : memref<128x128xf32, #tpu.memory_space<vmem>>) offsets(%arg16 : memref<128xi32, #tpu.memory_space<vmem>>) semaphore(%arg23 : memref<!tpu.dma_semaphore, #tpu.memory_space<semaphore_mem>>)
    %scan3A_441 = arith.constant 0 : i32
    %scan3A_442 = arith.constant 14 : i32
    %scan3A_443 = arith.addi %scan3A_441, %scan3A_442 : i32
    %scan3A_444 = arith.constant 1 : i32
    scf.for %scan3A_488 = %scan3A_441 to %scan3A_443 step %scan3A_444  : i32 {
      %mul3A_489 = arith.constant 3 : i32
      %mul3A_490 = arith.muli %scan3A_488, %mul3A_489 : i32
      %add3A_491 = arith.constant 0 : i32
      %add3A_492 = arith.addi %add3A_491, %mul3A_490 : i32
      %add3A_493 = arith.constant 0 : i32
      %add3A_494 = arith.addi %add3A_492, %add3A_493 : i32
      %lt3A_495 = arith.cmpi slt, %add3A_494, %add3A_4 : i32
      %convert_element_type3A = arith.extui %lt3A_495 : i1 to i32
      %cond3A = arith.constant 0 : i32
      %cond3A_496 = arith.cmpi ne, %convert_element_type3A, %cond3A : i32
      scf.if %cond3A_496 {
        %dma_wait3A_509 = arith.constant 0 : i32
        %dma_wait3A_510 = arith.constant 0 : i32
        %dma_wait3A_511 = tpu.memref_slice %arg2[%dma_wait3A_509, %dma_wait3A_510] : memref<320000x128xf32, #tpu.memory_space<hbm>> -> memref<320000x128xf32, #tpu.memory_space<hbm>>
        tpu.wait_indirect_dma semaphore(%arg22 : memref<!tpu.dma_semaphore, #tpu.memory_space<semaphore_mem>>) src(%dma_wait3A_511 : memref<320000x128xf32, #tpu.memory_space<hbm>>) dst(%arg10 : memref<128x128xf32, #tpu.memory_space<vmem>>)
        %get3A = arith.constant 0 : index
        %get3A_512 = tpu.vector_load %arg15[%get3A] {strides = array<i32>} : memref<128xi32, #tpu.memory_space<vmem>>, vector<16xi32>,
        %add3A_513 = arith.constant 24576 : i32
        %add3A_514 = vector.broadcast %add3A_513 : i32 to vector<16xi32>
        %add3A_515 = arith.addi %get3A_512, %add3A_514 : vector<16xi32>
        %swap3A_516 = arith.constant 0 : index
        %swap3A_517 = tpu.vector_load %arg15[%swap3A_516] {strides = array<i32>} : memref<128xi32, #tpu.memory_space<vmem>>, vector<16xi32>,
        tpu.vector_store %arg15[%swap3A_516], %add3A_515 {strides = array<i32>} : memref<128xi32, #tpu.memory_space<vmem>>, vector<16xi32>,
        %get3A_518 = arith.constant 16 : index
        %get3A_519 = tpu.vector_load %arg15[%get3A_518] {strides = array<i32>} : memref<128xi32, #tpu.memory_space<vmem>>, vector<16xi32>,
        %add3A_520 = arith.constant 24576 : i32
        %add3A_521 = vector.broadcast %add3A_520 : i32 to vector<16xi32>
        %add3A_522 = arith.addi %get3A_519, %add3A_521 : vector<16xi32>
        %swap3A_523 = arith.constant 16 : index
        %swap3A_524 = tpu.vector_load %arg15[%swap3A_523] {strides = array<i32>} : memref<128xi32, #tpu.memory_space<vmem>>, vector<16xi32>,
        tpu.vector_store %arg15[%swap3A_523], %add3A_522 {strides = array<i32>} : memref<128xi32, #tpu.memory_space<vmem>>, vector<16xi32>,
        %get3A_525 = arith.constant 32 : index
        %get3A_526 = tpu.vector_load %arg15[%get3A_525] {strides = array<i32>} : memref<128xi32, #tpu.memory_space<vmem>>, vector<16xi32>,
        %add3A_527 = arith.constant 24576 : i32
        %add3A_528 = vector.broadcast %add3A_527 : i32 to vector<16xi32>
        %add3A_529 = arith.addi %get3A_526, %add3A_528 : vector<16xi32>
        %swap3A_530 = arith.constant 32 : index
        %swap3A_531 = tpu.vector_load %arg15[%swap3A_530] {strides = array<i32>} : memref<128xi32, #tpu.memory_space<vmem>>, vector<16xi32>,
        tpu.vector_store %arg15[%swap3A_530], %add3A_529 {strides = array<i32>} : memref<128xi32, #tpu.memory_space<vmem>>, vector<16xi32>,
        %get3A_532 = arith.constant 48 : index
        %get3A_533 = tpu.vector_load %arg15[%get3A_532] {strides = array<i32>} : memref<128xi32, #tpu.memory_space<vmem>>, vector<16xi32>,
        %add3A_534 = arith.constant 24576 : i32
        %add3A_535 = vector.broadcast %add3A_534 : i32 to vector<16xi32>
        %add3A_536 = arith.addi %get3A_533, %add3A_535 : vector<16xi32>
        %swap3A_537 = arith.constant 48 : index
        %swap3A_538 = tpu.vector_load %arg15[%swap3A_537] {strides = array<i32>} : memref<128xi32, #tpu.memory_space<vmem>>, vector<16xi32>,
        tpu.vector_store %arg15[%swap3A_537], %add3A_536 {strides = array<i32>} : memref<128xi32, #tpu.memory_space<vmem>>, vector<16xi32>,
        %get3A_539 = arith.constant 64 : index
        %get3A_540 = tpu.vector_load %arg15[%get3A_539] {strides = array<i32>} : memref<128xi32, #tpu.memory_space<vmem>>, vector<16xi32>,
        %add3A_541 = arith.constant 24576 : i32
        %add3A_542 = vector.broadcast %add3A_541 : i32 to vector<16xi32>
        %add3A_543 = arith.addi %get3A_540, %add3A_542 : vector<16xi32>
        %swap3A_544 = arith.constant 64 : index
        %swap3A_545 = tpu.vector_load %arg15[%swap3A_544] {strides = array<i32>} : memref<128xi32, #tpu.memory_space<vmem>>, vector<16xi32>,
        tpu.vector_store %arg15[%swap3A_544], %add3A_543 {strides = array<i32>} : memref<128xi32, #tpu.memory_space<vmem>>, vector<16xi32>,
        %get3A_546 = arith.constant 80 : index
        %get3A_547 = tpu.vector_load %arg15[%get3A_546] {strides = array<i32>} : memref<128xi32, #tpu.memory_space<vmem>>, vector<16xi32>,
        %add3A_548 = arith.constant 24576 : i32
        %add3A_549 = vector.broadcast %add3A_548 : i32 to vector<16xi32>
        %add3A_550 = arith.addi %get3A_547, %add3A_549 : vector<16xi32>
        %swap3A_551 = arith.constant 80 : index
        %swap3A_552 = tpu.vector_load %arg15[%swap3A_551] {strides = array<i32>} : memref<128xi32, #tpu.memory_space<vmem>>, vector<16xi32>,
        tpu.vector_store %arg15[%swap3A_551], %add3A_550 {strides = array<i32>} : memref<128xi32, #tpu.memory_space<vmem>>, vector<16xi32>,
        %get3A_553 = arith.constant 96 : index
        %get3A_554 = tpu.vector_load %arg15[%get3A_553] {strides = array<i32>} : memref<128xi32, #tpu.memory_space<vmem>>, vector<16xi32>,
        %add3A_555 = arith.constant 24576 : i32
        %add3A_556 = vector.broadcast %add3A_555 : i32 to vector<16xi32>
        %add3A_557 = arith.addi %get3A_554, %add3A_556 : vector<16xi32>
        %swap3A_558 = arith.constant 96 : index
        %swap3A_559 = tpu.vector_load %arg15[%swap3A_558] {strides = array<i32>} : memref<128xi32, #tpu.memory_space<vmem>>, vector<16xi32>,
        tpu.vector_store %arg15[%swap3A_558], %add3A_557 {strides = array<i32>} : memref<128xi32, #tpu.memory_space<vmem>>, vector<16xi32>,
        %get3A_560 = arith.constant 112 : index
        %get3A_561 = tpu.vector_load %arg15[%get3A_560] {strides = array<i32>} : memref<128xi32, #tpu.memory_space<vmem>>, vector<16xi32>,
        %add3A_562 = arith.constant 24576 : i32
        %add3A_563 = vector.broadcast %add3A_562 : i32 to vector<16xi32>
        %add3A_564 = arith.addi %get3A_561, %add3A_563 : vector<16xi32>
        %swap3A_565 = arith.constant 112 : index
        %swap3A_566 = tpu.vector_load %arg15[%swap3A_565] {strides = array<i32>} : memref<128xi32, #tpu.memory_space<vmem>>, vector<16xi32>,
        tpu.vector_store %arg15[%swap3A_565], %add3A_564 {strides = array<i32>} : memref<128xi32, #tpu.memory_space<vmem>>, vector<16xi32>,
        %add3A_567 = arith.constant 2 : i32
        %add3A_568 = arith.addi %add3A_494, %add3A_567 : i32
        %lt3A_569 = arith.cmpi slt, %add3A_568, %add3A_4 : i32
        %convert_element_type3A_570 = arith.extui %lt3A_569 : i1 to i32
        %cond3A_571 = arith.constant 0 : i32
        %cond3A_572 = arith.cmpi ne, %convert_element_type3A_570, %cond3A_571 : i32
        scf.if %cond3A_572 {
          %ge3A = arith.constant 1 : i32
          %ge3A_579 = arith.cmpi sge, %add3A_494, %ge3A : i32
          %convert_element_type3A_580 = arith.extui %ge3A_579 : i1 to i32
          %cond3A_581 = arith.constant 0 : i32
          %cond3A_582 = arith.cmpi ne, %convert_element_type3A_580, %cond3A_581 : i32
          scf.if %cond3A_582 {
            %dma_wait3A_586 = arith.constant 0 : i32
            %dma_wait3A_587 = arith.constant 0 : i32
            %dma_wait3A_588 = tpu.memref_slice %arg18[%dma_wait3A_586, %dma_wait3A_587] : memref<40x128xi32, #tpu.memory_space<vmem>> -> memref<1x128xi32, #tpu.memory_space<vmem>>
            %dma_wait3A_589 = tpu.memref_squeeze %dma_wait3A_588 : memref<1x128xi32, #tpu.memory_space<vmem>> -> memref<128xi32, #tpu.memory_space<vmem>>
            %dma_wait3A_590 = arith.constant 0 : i32
            %dma_wait3A_591 = arith.constant 0 : i32
            %dma_wait3A_592 = tpu.memref_slice %arg9[%dma_wait3A_590, %dma_wait3A_591] : memref<512x128xf32, #tpu.memory_space<vmem_shared>> -> memref<512x128xf32, #tpu.memory_space<vmem_shared>>
            tpu.wait_indirect_dma semaphore(%arg27 : memref<!tpu.dma_semaphore, #tpu.memory_space<semaphore_mem>>) src(%arg12 : memref<128x128xf32, #tpu.memory_space<vmem>>) dst(%dma_wait3A_592 : memref<512x128xf32, #tpu.memory_space<vmem_shared>>)
          } else {
          }
          %dma_start3A_583 = arith.constant 0 : i32
          %dma_start3A_584 = arith.constant 0 : i32
          %dma_start3A_585 = tpu.memref_slice %arg2[%dma_start3A_583, %dma_start3A_584] : memref<320000x128xf32, #tpu.memory_space<hbm>> -> memref<320000x128xf32, #tpu.memory_space<hbm>>
          tpu.enqueue_indirect_dma source(%dma_start3A_585 : memref<320000x128xf32, #tpu.memory_space<hbm>>) target(%arg12 : memref<128x128xf32, #tpu.memory_space<vmem>>) offsets(%arg17 : memref<128xi32, #tpu.memory_space<vmem>>) semaphore(%arg24 : memref<!tpu.dma_semaphore, #tpu.memory_space<semaphore_mem>>)
        } else {
        }
        %dma_start3A_573 = arith.constant 0 : i32
        %dma_start3A_574 = tpu.memref_slice %arg18[%add3A_494, %dma_start3A_573] : memref<40x128xi32, #tpu.memory_space<vmem>> -> memref<1x128xi32, #tpu.memory_space<vmem>>
        %dma_start3A_575 = tpu.memref_squeeze %dma_start3A_574 : memref<1x128xi32, #tpu.memory_space<vmem>> -> memref<128xi32, #tpu.memory_space<vmem>>
        %dma_start3A_576 = arith.constant 0 : i32
        %dma_start3A_577 = arith.constant 0 : i32
        %dma_start3A_578 = tpu.memref_slice %arg9[%dma_start3A_576, %dma_start3A_577] : memref<512x128xf32, #tpu.memory_space<vmem_shared>> -> memref<512x128xf32, #tpu.memory_space<vmem_shared>>
        tpu.enqueue_indirect_dma source(%arg10 : memref<128x128xf32, #tpu.memory_space<vmem>>) target(%dma_start3A_578 : memref<512x128xf32, #tpu.memory_space<vmem_shared>>) offsets(%dma_start3A_575 : memref<128xi32, #tpu.memory_space<vmem>>) semaphore(%arg25 : memref<!tpu.dma_semaphore, #tpu.memory_space<semaphore_mem>>) {add = true}
      } else {
      }
      %add3A_497 = arith.constant 1 : i32
      %add3A_498 = arith.addi %add3A_492, %add3A_497 : i32
      %lt3A_499 = arith.cmpi slt, %add3A_498, %add3A_4 : i32
      %convert_element_type3A_500 = arith.extui %lt3A_499 : i1 to i32
      %cond3A_501 = arith.constant 0 : i32
      %cond3A_502 = arith.cmpi ne, %convert_element_type3A_500, %cond3A_501 : i32
      scf.if %cond3A_502 {
        %dma_wait3A_509 = arith.constant 0 : i32
        %dma_wait3A_510 = arith.constant 0 : i32
        %dma_wait3A_511 = tpu.memref_slice %arg2[%dma_wait3A_509, %dma_wait3A_510] : memref<320000x128xf32, #tpu.memory_space<hbm>> -> memref<320000x128xf32, #tpu.memory_space<hbm>>
        tpu.wait_indirect_dma semaphore(%arg23 : memref<!tpu.dma_semaphore, #tpu.memory_space<semaphore_mem>>) src(%dma_wait3A_511 : memref<320000x128xf32, #tpu.memory_space<hbm>>) dst(%arg11 : memref<128x128xf32, #tpu.memory_space<vmem>>)
        %get3A = arith.constant 0 : index
        %get3A_512 = tpu.vector_load %arg16[%get3A] {strides = array<i32>} : memref<128xi32, #tpu.memory_space<vmem>>, vector<16xi32>,
        %add3A_513 = arith.constant 24576 : i32
        %add3A_514 = vector.broadcast %add3A_513 : i32 to vector<16xi32>
        %add3A_515 = arith.addi %get3A_512, %add3A_514 : vector<16xi32>
        %swap3A_516 = arith.constant 0 : index
        %swap3A_517 = tpu.vector_load %arg16[%swap3A_516] {strides = array<i32>} : memref<128xi32, #tpu.memory_space<vmem>>, vector<16xi32>,
        tpu.vector_store %arg16[%swap3A_516], %add3A_515 {strides = array<i32>} : memref<128xi32, #tpu.memory_space<vmem>>, vector<16xi32>,
        %get3A_518 = arith.constant 16 : index
        %get3A_519 = tpu.vector_load %arg16[%get3A_518] {strides = array<i32>} : memref<128xi32, #tpu.memory_space<vmem>>, vector<16xi32>,
        %add3A_520 = arith.constant 24576 : i32
        %add3A_521 = vector.broadcast %add3A_520 : i32 to vector<16xi32>
        %add3A_522 = arith.addi %get3A_519, %add3A_521 : vector<16xi32>
        %swap3A_523 = arith.constant 16 : index
        %swap3A_524 = tpu.vector_load %arg16[%swap3A_523] {strides = array<i32>} : memref<128xi32, #tpu.memory_space<vmem>>, vector<16xi32>,
        tpu.vector_store %arg16[%swap3A_523], %add3A_522 {strides = array<i32>} : memref<128xi32, #tpu.memory_space<vmem>>, vector<16xi32>,
        %get3A_525 = arith.constant 32 : index
        %get3A_526 = tpu.vector_load %arg16[%get3A_525] {strides = array<i32>} : memref<128xi32, #tpu.memory_space<vmem>>, vector<16xi32>,
        %add3A_527 = arith.constant 24576 : i32
        %add3A_528 = vector.broadcast %add3A_527 : i32 to vector<16xi32>
        %add3A_529 = arith.addi %get3A_526, %add3A_528 : vector<16xi32>
        %swap3A_530 = arith.constant 32 : index
        %swap3A_531 = tpu.vector_load %arg16[%swap3A_530] {strides = array<i32>} : memref<128xi32, #tpu.memory_space<vmem>>, vector<16xi32>,
        tpu.vector_store %arg16[%swap3A_530], %add3A_529 {strides = array<i32>} : memref<128xi32, #tpu.memory_space<vmem>>, vector<16xi32>,
        %get3A_532 = arith.constant 48 : index
        %get3A_533 = tpu.vector_load %arg16[%get3A_532] {strides = array<i32>} : memref<128xi32, #tpu.memory_space<vmem>>, vector<16xi32>,
        %add3A_534 = arith.constant 24576 : i32
        %add3A_535 = vector.broadcast %add3A_534 : i32 to vector<16xi32>
        %add3A_536 = arith.addi %get3A_533, %add3A_535 : vector<16xi32>
        %swap3A_537 = arith.constant 48 : index
        %swap3A_538 = tpu.vector_load %arg16[%swap3A_537] {strides = array<i32>} : memref<128xi32, #tpu.memory_space<vmem>>, vector<16xi32>,
        tpu.vector_store %arg16[%swap3A_537], %add3A_536 {strides = array<i32>} : memref<128xi32, #tpu.memory_space<vmem>>, vector<16xi32>,
        %get3A_539 = arith.constant 64 : index
        %get3A_540 = tpu.vector_load %arg16[%get3A_539] {strides = array<i32>} : memref<128xi32, #tpu.memory_space<vmem>>, vector<16xi32>,
        %add3A_541 = arith.constant 24576 : i32
        %add3A_542 = vector.broadcast %add3A_541 : i32 to vector<16xi32>
        %add3A_543 = arith.addi %get3A_540, %add3A_542 : vector<16xi32>
        %swap3A_544 = arith.constant 64 : index
        %swap3A_545 = tpu.vector_load %arg16[%swap3A_544] {strides = array<i32>} : memref<128xi32, #tpu.memory_space<vmem>>, vector<16xi32>,
        tpu.vector_store %arg16[%swap3A_544], %add3A_543 {strides = array<i32>} : memref<128xi32, #tpu.memory_space<vmem>>, vector<16xi32>,
        %get3A_546 = arith.constant 80 : index
        %get3A_547 = tpu.vector_load %arg16[%get3A_546] {strides = array<i32>} : memref<128xi32, #tpu.memory_space<vmem>>, vector<16xi32>,
        %add3A_548 = arith.constant 24576 : i32
        %add3A_549 = vector.broadcast %add3A_548 : i32 to vector<16xi32>
        %add3A_550 = arith.addi %get3A_547, %add3A_549 : vector<16xi32>
        %swap3A_551 = arith.constant 80 : index
        %swap3A_552 = tpu.vector_load %arg16[%swap3A_551] {strides = array<i32>} : memref<128xi32, #tpu.memory_space<vmem>>, vector<16xi32>,
        tpu.vector_store %arg16[%swap3A_551], %add3A_550 {strides = array<i32>} : memref<128xi32, #tpu.memory_space<vmem>>, vector<16xi32>,
        %get3A_553 = arith.constant 96 : index
        %get3A_554 = tpu.vector_load %arg16[%get3A_553] {strides = array<i32>} : memref<128xi32, #tpu.memory_space<vmem>>, vector<16xi32>,
        %add3A_555 = arith.constant 24576 : i32
        %add3A_556 = vector.broadcast %add3A_555 : i32 to vector<16xi32>
        %add3A_557 = arith.addi %get3A_554, %add3A_556 : vector<16xi32>
        %swap3A_558 = arith.constant 96 : index
        %swap3A_559 = tpu.vector_load %arg16[%swap3A_558] {strides = array<i32>} : memref<128xi32, #tpu.memory_space<vmem>>, vector<16xi32>,
        tpu.vector_store %arg16[%swap3A_558], %add3A_557 {strides = array<i32>} : memref<128xi32, #tpu.memory_space<vmem>>, vector<16xi32>,
        %get3A_560 = arith.constant 112 : index
        %get3A_561 = tpu.vector_load %arg16[%get3A_560] {strides = array<i32>} : memref<128xi32, #tpu.memory_space<vmem>>, vector<16xi32>,
        %add3A_562 = arith.constant 24576 : i32
        %add3A_563 = vector.broadcast %add3A_562 : i32 to vector<16xi32>
        %add3A_564 = arith.addi %get3A_561, %add3A_563 : vector<16xi32>
        %swap3A_565 = arith.constant 112 : index
        %swap3A_566 = tpu.vector_load %arg16[%swap3A_565] {strides = array<i32>} : memref<128xi32, #tpu.memory_space<vmem>>, vector<16xi32>,
        tpu.vector_store %arg16[%swap3A_565], %add3A_564 {strides = array<i32>} : memref<128xi32, #tpu.memory_space<vmem>>, vector<16xi32>,
        %add3A_567 = arith.constant 2 : i32
        %add3A_568 = arith.addi %add3A_498, %add3A_567 : i32
        %lt3A_569 = arith.cmpi slt, %add3A_568, %add3A_4 : i32
        %convert_element_type3A_570 = arith.extui %lt3A_569 : i1 to i32
        %cond3A_571 = arith.constant 0 : i32
        %cond3A_572 = arith.cmpi ne, %convert_element_type3A_570, %cond3A_571 : i32
        scf.if %cond3A_572 {
          %ge3A = arith.constant 1 : i32
          %ge3A_579 = arith.cmpi sge, %add3A_498, %ge3A : i32
          %convert_element_type3A_580 = arith.extui %ge3A_579 : i1 to i32
          %cond3A_581 = arith.constant 0 : i32
          %cond3A_582 = arith.cmpi ne, %convert_element_type3A_580, %cond3A_581 : i32
          scf.if %cond3A_582 {
            %dma_wait3A_586 = arith.constant 0 : i32
            %dma_wait3A_587 = arith.constant 0 : i32
            %dma_wait3A_588 = tpu.memref_slice %arg18[%dma_wait3A_586, %dma_wait3A_587] : memref<40x128xi32, #tpu.memory_space<vmem>> -> memref<1x128xi32, #tpu.memory_space<vmem>>
            %dma_wait3A_589 = tpu.memref_squeeze %dma_wait3A_588 : memref<1x128xi32, #tpu.memory_space<vmem>> -> memref<128xi32, #tpu.memory_space<vmem>>
            %dma_wait3A_590 = arith.constant 0 : i32
            %dma_wait3A_591 = arith.constant 0 : i32
            %dma_wait3A_592 = tpu.memref_slice %arg9[%dma_wait3A_590, %dma_wait3A_591] : memref<512x128xf32, #tpu.memory_space<vmem_shared>> -> memref<512x128xf32, #tpu.memory_space<vmem_shared>>
            tpu.wait_indirect_dma semaphore(%arg25 : memref<!tpu.dma_semaphore, #tpu.memory_space<semaphore_mem>>) src(%arg10 : memref<128x128xf32, #tpu.memory_space<vmem>>) dst(%dma_wait3A_592 : memref<512x128xf32, #tpu.memory_space<vmem_shared>>)
          } else {
          }
          %dma_start3A_583 = arith.constant 0 : i32
          %dma_start3A_584 = arith.constant 0 : i32
          %dma_start3A_585 = tpu.memref_slice %arg2[%dma_start3A_583, %dma_start3A_584] : memref<320000x128xf32, #tpu.memory_space<hbm>> -> memref<320000x128xf32, #tpu.memory_space<hbm>>
          tpu.enqueue_indirect_dma source(%dma_start3A_585 : memref<320000x128xf32, #tpu.memory_space<hbm>>) target(%arg10 : memref<128x128xf32, #tpu.memory_space<vmem>>) offsets(%arg15 : memref<128xi32, #tpu.memory_space<vmem>>) semaphore(%arg22 : memref<!tpu.dma_semaphore, #tpu.memory_space<semaphore_mem>>)
        } else {
        }
        %dma_start3A_573 = arith.constant 0 : i32
        %dma_start3A_574 = tpu.memref_slice %arg18[%add3A_498, %dma_start3A_573] : memref<40x128xi32, #tpu.memory_space<vmem>> -> memref<1x128xi32, #tpu.memory_space<vmem>>
        %dma_start3A_575 = tpu.memref_squeeze %dma_start3A_574 : memref<1x128xi32, #tpu.memory_space<vmem>> -> memref<128xi32, #tpu.memory_space<vmem>>
        %dma_start3A_576 = arith.constant 0 : i32
        %dma_start3A_577 = arith.constant 0 : i32
        %dma_start3A_578 = tpu.memref_slice %arg9[%dma_start3A_576, %dma_start3A_577] : memref<512x128xf32, #tpu.memory_space<vmem_shared>> -> memref<512x128xf32, #tpu.memory_space<vmem_shared>>
        tpu.enqueue_indirect_dma source(%arg11 : memref<128x128xf32, #tpu.memory_space<vmem>>) target(%dma_start3A_578 : memref<512x128xf32, #tpu.memory_space<vmem_shared>>) offsets(%dma_start3A_575 : memref<128xi32, #tpu.memory_space<vmem>>) semaphore(%arg26 : memref<!tpu.dma_semaphore, #tpu.memory_space<semaphore_mem>>) {add = true}
      } else {
      }
      %add3A_503 = arith.constant 2 : i32
      %add3A_504 = arith.addi %add3A_492, %add3A_503 : i32
      %lt3A_505 = arith.cmpi slt, %add3A_504, %add3A_4 : i32
      %convert_element_type3A_506 = arith.extui %lt3A_505 : i1 to i32
      %cond3A_507 = arith.constant 0 : i32
      %cond3A_508 = arith.cmpi ne, %convert_element_type3A_506, %cond3A_507 : i32
      scf.if %cond3A_508 {
        %dma_wait3A_509 = arith.constant 0 : i32
        %dma_wait3A_510 = arith.constant 0 : i32
        %dma_wait3A_511 = tpu.memref_slice %arg2[%dma_wait3A_509, %dma_wait3A_510] : memref<320000x128xf32, #tpu.memory_space<hbm>> -> memref<320000x128xf32, #tpu.memory_space<hbm>>
        tpu.wait_indirect_dma semaphore(%arg24 : memref<!tpu.dma_semaphore, #tpu.memory_space<semaphore_mem>>) src(%dma_wait3A_511 : memref<320000x128xf32, #tpu.memory_space<hbm>>) dst(%arg12 : memref<128x128xf32, #tpu.memory_space<vmem>>)
        %get3A = arith.constant 0 : index
        %get3A_512 = tpu.vector_load %arg17[%get3A] {strides = array<i32>} : memref<128xi32, #tpu.memory_space<vmem>>, vector<16xi32>,
        %add3A_513 = arith.constant 24576 : i32
        %add3A_514 = vector.broadcast %add3A_513 : i32 to vector<16xi32>
        %add3A_515 = arith.addi %get3A_512, %add3A_514 : vector<16xi32>
        %swap3A_516 = arith.constant 0 : index
        %swap3A_517 = tpu.vector_load %arg17[%swap3A_516] {strides = array<i32>} : memref<128xi32, #tpu.memory_space<vmem>>, vector<16xi32>,
        tpu.vector_store %arg17[%swap3A_516], %add3A_515 {strides = array<i32>} : memref<128xi32, #tpu.memory_space<vmem>>, vector<16xi32>,
        %get3A_518 = arith.constant 16 : index
        %get3A_519 = tpu.vector_load %arg17[%get3A_518] {strides = array<i32>} : memref<128xi32, #tpu.memory_space<vmem>>, vector<16xi32>,
        %add3A_520 = arith.constant 24576 : i32
        %add3A_521 = vector.broadcast %add3A_520 : i32 to vector<16xi32>
        %add3A_522 = arith.addi %get3A_519, %add3A_521 : vector<16xi32>
        %swap3A_523 = arith.constant 16 : index
        %swap3A_524 = tpu.vector_load %arg17[%swap3A_523] {strides = array<i32>} : memref<128xi32, #tpu.memory_space<vmem>>, vector<16xi32>,
        tpu.vector_store %arg17[%swap3A_523], %add3A_522 {strides = array<i32>} : memref<128xi32, #tpu.memory_space<vmem>>, vector<16xi32>,
        %get3A_525 = arith.constant 32 : index
        %get3A_526 = tpu.vector_load %arg17[%get3A_525] {strides = array<i32>} : memref<128xi32, #tpu.memory_space<vmem>>, vector<16xi32>,
        %add3A_527 = arith.constant 24576 : i32
        %add3A_528 = vector.broadcast %add3A_527 : i32 to vector<16xi32>
        %add3A_529 = arith.addi %get3A_526, %add3A_528 : vector<16xi32>
        %swap3A_530 = arith.constant 32 : index
        %swap3A_531 = tpu.vector_load %arg17[%swap3A_530] {strides = array<i32>} : memref<128xi32, #tpu.memory_space<vmem>>, vector<16xi32>,
        tpu.vector_store %arg17[%swap3A_530], %add3A_529 {strides = array<i32>} : memref<128xi32, #tpu.memory_space<vmem>>, vector<16xi32>,
        %get3A_532 = arith.constant 48 : index
        %get3A_533 = tpu.vector_load %arg17[%get3A_532] {strides = array<i32>} : memref<128xi32, #tpu.memory_space<vmem>>, vector<16xi32>,
        %add3A_534 = arith.constant 24576 : i32
        %add3A_535 = vector.broadcast %add3A_534 : i32 to vector<16xi32>
        %add3A_536 = arith.addi %get3A_533, %add3A_535 : vector<16xi32>
        %swap3A_537 = arith.constant 48 : index
        %swap3A_538 = tpu.vector_load %arg17[%swap3A_537] {strides = array<i32>} : memref<128xi32, #tpu.memory_space<vmem>>, vector<16xi32>,
        tpu.vector_store %arg17[%swap3A_537], %add3A_536 {strides = array<i32>} : memref<128xi32, #tpu.memory_space<vmem>>, vector<16xi32>,
        %get3A_539 = arith.constant 64 : index
        %get3A_540 = tpu.vector_load %arg17[%get3A_539] {strides = array<i32>} : memref<128xi32, #tpu.memory_space<vmem>>, vector<16xi32>,
        %add3A_541 = arith.constant 24576 : i32
        %add3A_542 = vector.broadcast %add3A_541 : i32 to vector<16xi32>
        %add3A_543 = arith.addi %get3A_540, %add3A_542 : vector<16xi32>
        %swap3A_544 = arith.constant 64 : index
        %swap3A_545 = tpu.vector_load %arg17[%swap3A_544] {strides = array<i32>} : memref<128xi32, #tpu.memory_space<vmem>>, vector<16xi32>,
        tpu.vector_store %arg17[%swap3A_544], %add3A_543 {strides = array<i32>} : memref<128xi32, #tpu.memory_space<vmem>>, vector<16xi32>,
        %get3A_546 = arith.constant 80 : index
        %get3A_547 = tpu.vector_load %arg17[%get3A_546] {strides = array<i32>} : memref<128xi32, #tpu.memory_space<vmem>>, vector<16xi32>,
        %add3A_548 = arith.constant 24576 : i32
        %add3A_549 = vector.broadcast %add3A_548 : i32 to vector<16xi32>
        %add3A_550 = arith.addi %get3A_547, %add3A_549 : vector<16xi32>
        %swap3A_551 = arith.constant 80 : index
        %swap3A_552 = tpu.vector_load %arg17[%swap3A_551] {strides = array<i32>} : memref<128xi32, #tpu.memory_space<vmem>>, vector<16xi32>,
        tpu.vector_store %arg17[%swap3A_551], %add3A_550 {strides = array<i32>} : memref<128xi32, #tpu.memory_space<vmem>>, vector<16xi32>,
        %get3A_553 = arith.constant 96 : index
        %get3A_554 = tpu.vector_load %arg17[%get3A_553] {strides = array<i32>} : memref<128xi32, #tpu.memory_space<vmem>>, vector<16xi32>,
        %add3A_555 = arith.constant 24576 : i32
        %add3A_556 = vector.broadcast %add3A_555 : i32 to vector<16xi32>
        %add3A_557 = arith.addi %get3A_554, %add3A_556 : vector<16xi32>
        %swap3A_558 = arith.constant 96 : index
        %swap3A_559 = tpu.vector_load %arg17[%swap3A_558] {strides = array<i32>} : memref<128xi32, #tpu.memory_space<vmem>>, vector<16xi32>,
        tpu.vector_store %arg17[%swap3A_558], %add3A_557 {strides = array<i32>} : memref<128xi32, #tpu.memory_space<vmem>>, vector<16xi32>,
        %get3A_560 = arith.constant 112 : index
        %get3A_561 = tpu.vector_load %arg17[%get3A_560] {strides = array<i32>} : memref<128xi32, #tpu.memory_space<vmem>>, vector<16xi32>,
        %add3A_562 = arith.constant 24576 : i32
        %add3A_563 = vector.broadcast %add3A_562 : i32 to vector<16xi32>
        %add3A_564 = arith.addi %get3A_561, %add3A_563 : vector<16xi32>
        %swap3A_565 = arith.constant 112 : index
        %swap3A_566 = tpu.vector_load %arg17[%swap3A_565] {strides = array<i32>} : memref<128xi32, #tpu.memory_space<vmem>>, vector<16xi32>,
        tpu.vector_store %arg17[%swap3A_565], %add3A_564 {strides = array<i32>} : memref<128xi32, #tpu.memory_space<vmem>>, vector<16xi32>,
        %add3A_567 = arith.constant 2 : i32
        %add3A_568 = arith.addi %add3A_504, %add3A_567 : i32
        %lt3A_569 = arith.cmpi slt, %add3A_568, %add3A_4 : i32
        %convert_element_type3A_570 = arith.extui %lt3A_569 : i1 to i32
        %cond3A_571 = arith.constant 0 : i32
        %cond3A_572 = arith.cmpi ne, %convert_element_type3A_570, %cond3A_571 : i32
        scf.if %cond3A_572 {
          %ge3A = arith.constant 1 : i32
          %ge3A_579 = arith.cmpi sge, %add3A_504, %ge3A : i32
          %convert_element_type3A_580 = arith.extui %ge3A_579 : i1 to i32
          %cond3A_581 = arith.constant 0 : i32
          %cond3A_582 = arith.cmpi ne, %convert_element_type3A_580, %cond3A_581 : i32
          scf.if %cond3A_582 {
            %dma_wait3A_586 = arith.constant 0 : i32
            %dma_wait3A_587 = arith.constant 0 : i32
            %dma_wait3A_588 = tpu.memref_slice %arg18[%dma_wait3A_586, %dma_wait3A_587] : memref<40x128xi32, #tpu.memory_space<vmem>> -> memref<1x128xi32, #tpu.memory_space<vmem>>
            %dma_wait3A_589 = tpu.memref_squeeze %dma_wait3A_588 : memref<1x128xi32, #tpu.memory_space<vmem>> -> memref<128xi32, #tpu.memory_space<vmem>>
            %dma_wait3A_590 = arith.constant 0 : i32
            %dma_wait3A_591 = arith.constant 0 : i32
            %dma_wait3A_592 = tpu.memref_slice %arg9[%dma_wait3A_590, %dma_wait3A_591] : memref<512x128xf32, #tpu.memory_space<vmem_shared>> -> memref<512x128xf32, #tpu.memory_space<vmem_shared>>
            tpu.wait_indirect_dma semaphore(%arg26 : memref<!tpu.dma_semaphore, #tpu.memory_space<semaphore_mem>>) src(%arg11 : memref<128x128xf32, #tpu.memory_space<vmem>>) dst(%dma_wait3A_592 : memref<512x128xf32, #tpu.memory_space<vmem_shared>>)
          } else {
          }
          %dma_start3A_583 = arith.constant 0 : i32
          %dma_start3A_584 = arith.constant 0 : i32
          %dma_start3A_585 = tpu.memref_slice %arg2[%dma_start3A_583, %dma_start3A_584] : memref<320000x128xf32, #tpu.memory_space<hbm>> -> memref<320000x128xf32, #tpu.memory_space<hbm>>
          tpu.enqueue_indirect_dma source(%dma_start3A_585 : memref<320000x128xf32, #tpu.memory_space<hbm>>) target(%arg11 : memref<128x128xf32, #tpu.memory_space<vmem>>) offsets(%arg16 : memref<128xi32, #tpu.memory_space<vmem>>) semaphore(%arg23 : memref<!tpu.dma_semaphore, #tpu.memory_space<semaphore_mem>>)
        } else {
        }
        %dma_start3A_573 = arith.constant 0 : i32
        %dma_start3A_574 = tpu.memref_slice %arg18[%add3A_504, %dma_start3A_573] : memref<40x128xi32, #tpu.memory_space<vmem>> -> memref<1x128xi32, #tpu.memory_space<vmem>>
        %dma_start3A_575 = tpu.memref_squeeze %dma_start3A_574 : memref<1x128xi32, #tpu.memory_space<vmem>> -> memref<128xi32, #tpu.memory_space<vmem>>
        %dma_start3A_576 = arith.constant 0 : i32
        %dma_start3A_577 = arith.constant 0 : i32
        %dma_start3A_578 = tpu.memref_slice %arg9[%dma_start3A_576, %dma_start3A_577] : memref<512x128xf32, #tpu.memory_space<vmem_shared>> -> memref<512x128xf32, #tpu.memory_space<vmem_shared>>
        tpu.enqueue_indirect_dma source(%arg12 : memref<128x128xf32, #tpu.memory_space<vmem>>) target(%dma_start3A_578 : memref<512x128xf32, #tpu.memory_space<vmem_shared>>) offsets(%dma_start3A_575 : memref<128xi32, #tpu.memory_space<vmem>>) semaphore(%arg27 : memref<!tpu.dma_semaphore, #tpu.memory_space<semaphore_mem>>) {add = true}
      } else {
      }
    }
    %scan3A_445 = arith.constant 14 : i32
    %dma_wait3A = arith.constant 0 : i32
    %dma_wait3A_446 = arith.constant 0 : i32
    %dma_wait3A_447 = tpu.memref_slice %arg18[%dma_wait3A, %dma_wait3A_446] : memref<40x128xi32, #tpu.memory_space<vmem>> -> memref<1x128xi32, #tpu.memory_space<vmem>>
    %dma_wait3A_448 = tpu.memref_squeeze %dma_wait3A_447 : memref<1x128xi32, #tpu.memory_space<vmem>> -> memref<128xi32, #tpu.memory_space<vmem>>
    %dma_wait3A_449 = arith.constant 0 : i32
    %dma_wait3A_450 = arith.constant 0 : i32
    %dma_wait3A_451 = tpu.memref_slice %arg9[%dma_wait3A_449, %dma_wait3A_450] : memref<512x128xf32, #tpu.memory_space<vmem_shared>> -> memref<512x128xf32, #tpu.memory_space<vmem_shared>>
    tpu.wait_indirect_dma semaphore(%arg25 : memref<!tpu.dma_semaphore, #tpu.memory_space<semaphore_mem>>) src(%arg10 : memref<128x128xf32, #tpu.memory_space<vmem>>) dst(%dma_wait3A_451 : memref<512x128xf32, #tpu.memory_space<vmem_shared>>)
    %dma_wait3A_452 = arith.constant 0 : i32
    %dma_wait3A_453 = arith.constant 0 : i32
    %dma_wait3A_454 = tpu.memref_slice %arg18[%dma_wait3A_452, %dma_wait3A_453] : memref<40x128xi32, #tpu.memory_space<vmem>> -> memref<1x128xi32, #tpu.memory_space<vmem>>
    %dma_wait3A_455 = tpu.memref_squeeze %dma_wait3A_454 : memref<1x128xi32, #tpu.memory_space<vmem>> -> memref<128xi32, #tpu.memory_space<vmem>>
    %dma_wait3A_456 = arith.constant 0 : i32
    %dma_wait3A_457 = arith.constant 0 : i32
    %dma_wait3A_458 = tpu.memref_slice %arg9[%dma_wait3A_456, %dma_wait3A_457] : memref<512x128xf32, #tpu.memory_space<vmem_shared>> -> memref<512x128xf32, #tpu.memory_space<vmem_shared>>
    tpu.wait_indirect_dma semaphore(%arg26 : memref<!tpu.dma_semaphore, #tpu.memory_space<semaphore_mem>>) src(%arg11 : memref<128x128xf32, #tpu.memory_space<vmem>>) dst(%dma_wait3A_458 : memref<512x128xf32, #tpu.memory_space<vmem_shared>>)
    %dma_wait3A_459 = arith.constant 0 : i32
    %dma_wait3A_460 = arith.constant 0 : i32
    %dma_wait3A_461 = tpu.memref_slice %arg18[%dma_wait3A_459, %dma_wait3A_460] : memref<40x128xi32, #tpu.memory_space<vmem>> -> memref<1x128xi32, #tpu.memory_space<vmem>>
    %dma_wait3A_462 = tpu.memref_squeeze %dma_wait3A_461 : memref<1x128xi32, #tpu.memory_space<vmem>> -> memref<128xi32, #tpu.memory_space<vmem>>
    %dma_wait3A_463 = arith.constant 0 : i32
    %dma_wait3A_464 = arith.constant 0 : i32
    %dma_wait3A_465 = tpu.memref_slice %arg9[%dma_wait3A_463, %dma_wait3A_464] : memref<512x128xf32, #tpu.memory_space<vmem_shared>> -> memref<512x128xf32, #tpu.memory_space<vmem_shared>>
    tpu.wait_indirect_dma semaphore(%arg27 : memref<!tpu.dma_semaphore, #tpu.memory_space<semaphore_mem>>) src(%arg12 : memref<128x128xf32, #tpu.memory_space<vmem>>) dst(%dma_wait3A_465 : memref<512x128xf32, #tpu.memory_space<vmem_shared>>)
    %add3A_466 = arith.constant 0 : i32
    %add3A_467 = arith.addi %add3A_466, %add3A : i32
    %mul3A_468 = arith.constant 80 : i32
    %mul3A_469 = arith.muli %add3A_467, %mul3A_468 : i32
    %dma_start3A_470 = arith.constant 0 : i32
    %dma_start3A_471 = tpu.memref_slice %arg4[%mul3A_469, %dma_start3A_470] : memref<10000x128xf32, #tpu.memory_space<hbm>> -> memref<80x128xf32, #tpu.memory_space<hbm>>
    %dma_start3A_472 = arith.constant 0 : i32
    %dma_start3A_473 = tpu.memref_slice %arg4[%mul3A_469, %dma_start3A_472] : memref<10000x128xf32, #tpu.memory_space<hbm>> -> memref<80x128xf32, #tpu.memory_space<hbm>>
    tpu.enqueue_dma source(%dma_start3A_473 : memref<80x128xf32, #tpu.memory_space<hbm>>) target(%arg13 : memref<80x128xf32, #tpu.memory_space<vmem>>) target_semaphore(%arg28 : memref<!tpu.dma_semaphore, #tpu.memory_space<semaphore_mem>>)
    %scan3A_474 = arith.constant 0 : i32
    %scan3A_475 = arith.constant 2 : i32
    %scan3A_476 = arith.addi %scan3A_474, %scan3A_475 : i32
    %scan3A_477 = arith.constant 1 : i32
    scf.for %scan3A_488 = %scan3A_474 to %scan3A_476 step %scan3A_477  : i32 {
      %mul3A_489 = arith.constant 2 : i32
      %mul3A_490 = arith.muli %scan3A_488, %mul3A_489 : i32
      %add3A_491 = arith.constant 0 : i32
      %add3A_492 = arith.addi %add3A_491, %mul3A_490 : i32
      %lt3A_493 = arith.cmpi slt, %add3A_492, %add3A_11 : i32
      %convert_element_type3A = arith.extui %lt3A_493 : i1 to i32
      %cond3A = arith.constant 0 : i32
      %cond3A_494 = arith.cmpi ne, %convert_element_type3A, %cond3A : i32
      scf.if %cond3A_494 {
        %add3A_501 = arith.constant 1 : i32
        %add3A_502 = arith.addi %add3A_492, %add3A_501 : i32
        %lt3A_503 = arith.cmpi slt, %add3A_502, %add3A_11 : i32
        %convert_element_type3A_504 = arith.extui %lt3A_503 : i1 to i32
        %cond3A_505 = arith.constant 0 : i32
        %cond3A_506 = arith.cmpi ne, %convert_element_type3A_504, %cond3A_505 : i32
        scf.if %cond3A_506 {
          %add3A_513 = arith.constant 1 : i32
          %add3A_514 = arith.addi %add3A_492, %add3A_513 : i32
          %mul3A_515 = arith.constant 32 : i32
          %mul3A_516 = arith.muli %add3A_514, %mul3A_515 : i32
          %add3A_517 = arith.addi %mul3A_516, %add3A : i32
          %mul3A_518 = arith.constant 80 : i32
          %mul3A_519 = arith.muli %add3A_517, %mul3A_518 : i32
          %dma_start3A_520 = arith.constant 0 : i32
          %dma_start3A_521 = tpu.memref_slice %arg4[%mul3A_519, %dma_start3A_520] : memref<10000x128xf32, #tpu.memory_space<hbm>> -> memref<80x128xf32, #tpu.memory_space<hbm>>
          %dma_start3A_522 = arith.constant 0 : i32
          %dma_start3A_523 = tpu.memref_slice %arg4[%mul3A_519, %dma_start3A_522] : memref<10000x128xf32, #tpu.memory_space<hbm>> -> memref<80x128xf32, #tpu.memory_space<hbm>>
          tpu.enqueue_dma source(%dma_start3A_523 : memref<80x128xf32, #tpu.memory_space<hbm>>) target(%arg14 : memref<80x128xf32, #tpu.memory_space<vmem>>) target_semaphore(%arg29 : memref<!tpu.dma_semaphore, #tpu.memory_space<semaphore_mem>>)
        } else {
        }
        %dma_wait3A_507 = arith.constant 0 : i32
        %dma_wait3A_508 = arith.constant 0 : i32
        %dma_wait3A_509 = tpu.memref_slice %arg4[%dma_wait3A_507, %dma_wait3A_508] : memref<10000x128xf32, #tpu.memory_space<hbm>> -> memref<80x128xf32, #tpu.memory_space<hbm>>
        %dma_wait3A_510 = arith.constant 0 : i32
        %dma_wait3A_511 = arith.constant 0 : i32
        %dma_wait3A_512 = tpu.memref_slice %arg4[%dma_wait3A_510, %dma_wait3A_511] : memref<10000x128xf32, #tpu.memory_space<hbm>> -> memref<80x128xf32, #tpu.memory_space<hbm>>
        tpu.wait_dma2 semaphore(%arg28 : memref<!tpu.dma_semaphore, #tpu.memory_space<semaphore_mem>>) src(%dma_wait3A_512 : memref<80x128xf32, #tpu.memory_space<hbm>>) dst(%arg13 : memref<80x128xf32, #tpu.memory_space<vmem>>)
        "tpu.region"() ({
          %run_scoped3A = tpu.sem_alloc : memref<!tpu.dma_semaphore, #tpu.memory_space<semaphore_mem>>
          %dma_start3A_513 = arith.constant 0 : i32
          %dma_start3A_514 = tpu.memref_slice %arg19[%add3A_492, %dma_start3A_513] : memref<4x80xi32, #tpu.memory_space<vmem>> -> memref<1x80xi32, #tpu.memory_space<vmem>>
          %dma_start3A_515 = tpu.memref_squeeze %dma_start3A_514 : memref<1x80xi32, #tpu.memory_space<vmem>> -> memref<80xi32, #tpu.memory_space<vmem>>
          %dma_start3A_516 = arith.constant 0 : i32
          %dma_start3A_517 = arith.constant 0 : i32
          %dma_start3A_518 = tpu.memref_slice %arg8[%dma_start3A_516, %dma_start3A_517] : memref<512x128xf32, #tpu.memory_space<vmem_shared>> -> memref<512x128xf32, #tpu.memory_space<vmem_shared>>
          tpu.enqueue_indirect_dma source(%arg13 : memref<80x128xf32, #tpu.memory_space<vmem>>) target(%dma_start3A_518 : memref<512x128xf32, #tpu.memory_space<vmem_shared>>) offsets(%dma_start3A_515 : memref<80xi32, #tpu.memory_space<vmem>>) semaphore(%run_scoped3A : memref<!tpu.dma_semaphore, #tpu.memory_space<semaphore_mem>>) {add = true}
          %dma_wait3A_519 = arith.constant 0 : i32
          %dma_wait3A_520 = tpu.memref_slice %arg19[%add3A_492, %dma_wait3A_519] : memref<4x80xi32, #tpu.memory_space<vmem>> -> memref<1x80xi32, #tpu.memory_space<vmem>>
          %dma_wait3A_521 = tpu.memref_squeeze %dma_wait3A_520 : memref<1x80xi32, #tpu.memory_space<vmem>> -> memref<80xi32, #tpu.memory_space<vmem>>
          %dma_wait3A_522 = arith.constant 0 : i32
          %dma_wait3A_523 = arith.constant 0 : i32
          %dma_wait3A_524 = tpu.memref_slice %arg8[%dma_wait3A_522, %dma_wait3A_523] : memref<512x128xf32, #tpu.memory_space<vmem_shared>> -> memref<512x128xf32, #tpu.memory_space<vmem_shared>>
          tpu.wait_indirect_dma semaphore(%run_scoped3A : memref<!tpu.dma_semaphore, #tpu.memory_space<semaphore_mem>>) src(%arg13 : memref<80x128xf32, #tpu.memory_space<vmem>>) dst(%dma_wait3A_524 : memref<512x128xf32, #tpu.memory_space<vmem_shared>>)
          tpu.yield
        }) : () -> ()
      } else {
      }
      %add3A_495 = arith.constant 1 : i32
      %add3A_496 = arith.addi %add3A_492, %add3A_495 : i32
      %lt3A_497 = arith.cmpi slt, %add3A_496, %add3A_11 : i32
      %convert_element_type3A_498 = arith.extui %lt3A_497 : i1 to i32
      %cond3A_499 = arith.constant 0 : i32
      %cond3A_500 = arith.cmpi ne, %convert_element_type3A_498, %cond3A_499 : i32
      scf.if %cond3A_500 {
        %add3A_501 = arith.constant 1 : i32
        %add3A_502 = arith.addi %add3A_496, %add3A_501 : i32
        %lt3A_503 = arith.cmpi slt, %add3A_502, %add3A_11 : i32
        %convert_element_type3A_504 = arith.extui %lt3A_503 : i1 to i32
        %cond3A_505 = arith.constant 0 : i32
        %cond3A_506 = arith.cmpi ne, %convert_element_type3A_504, %cond3A_505 : i32
        scf.if %cond3A_506 {
          %add3A_513 = arith.constant 1 : i32
          %add3A_514 = arith.addi %add3A_496, %add3A_513 : i32
          %mul3A_515 = arith.constant 32 : i32
          %mul3A_516 = arith.muli %add3A_514, %mul3A_515 : i32
          %add3A_517 = arith.addi %mul3A_516, %add3A : i32
          %mul3A_518 = arith.constant 80 : i32
          %mul3A_519 = arith.muli %add3A_517, %mul3A_518 : i32
          %dma_start3A_520 = arith.constant 0 : i32
          %dma_start3A_521 = tpu.memref_slice %arg4[%mul3A_519, %dma_start3A_520] : memref<10000x128xf32, #tpu.memory_space<hbm>> -> memref<80x128xf32, #tpu.memory_space<hbm>>
          %dma_start3A_522 = arith.constant 0 : i32
          %dma_start3A_523 = tpu.memref_slice %arg4[%mul3A_519, %dma_start3A_522] : memref<10000x128xf32, #tpu.memory_space<hbm>> -> memref<80x128xf32, #tpu.memory_space<hbm>>
          tpu.enqueue_dma source(%dma_start3A_523 : memref<80x128xf32, #tpu.memory_space<hbm>>) target(%arg13 : memref<80x128xf32, #tpu.memory_space<vmem>>) target_semaphore(%arg28 : memref<!tpu.dma_semaphore, #tpu.memory_space<semaphore_mem>>)
        } else {
        }
        %dma_wait3A_507 = arith.constant 0 : i32
        %dma_wait3A_508 = arith.constant 0 : i32
        %dma_wait3A_509 = tpu.memref_slice %arg4[%dma_wait3A_507, %dma_wait3A_508] : memref<10000x128xf32, #tpu.memory_space<hbm>> -> memref<80x128xf32, #tpu.memory_space<hbm>>
        %dma_wait3A_510 = arith.constant 0 : i32
        %dma_wait3A_511 = arith.constant 0 : i32
        %dma_wait3A_512 = tpu.memref_slice %arg4[%dma_wait3A_510, %dma_wait3A_511] : memref<10000x128xf32, #tpu.memory_space<hbm>> -> memref<80x128xf32, #tpu.memory_space<hbm>>
        tpu.wait_dma2 semaphore(%arg29 : memref<!tpu.dma_semaphore, #tpu.memory_space<semaphore_mem>>) src(%dma_wait3A_512 : memref<80x128xf32, #tpu.memory_space<hbm>>) dst(%arg14 : memref<80x128xf32, #tpu.memory_space<vmem>>)
        "tpu.region"() ({
          %run_scoped3A = tpu.sem_alloc : memref<!tpu.dma_semaphore, #tpu.memory_space<semaphore_mem>>
          %dma_start3A_513 = arith.constant 0 : i32
          %dma_start3A_514 = tpu.memref_slice %arg19[%add3A_496, %dma_start3A_513] : memref<4x80xi32, #tpu.memory_space<vmem>> -> memref<1x80xi32, #tpu.memory_space<vmem>>
          %dma_start3A_515 = tpu.memref_squeeze %dma_start3A_514 : memref<1x80xi32, #tpu.memory_space<vmem>> -> memref<80xi32, #tpu.memory_space<vmem>>
          %dma_start3A_516 = arith.constant 0 : i32
          %dma_start3A_517 = arith.constant 0 : i32
          %dma_start3A_518 = tpu.memref_slice %arg8[%dma_start3A_516, %dma_start3A_517] : memref<512x128xf32, #tpu.memory_space<vmem_shared>> -> memref<512x128xf32, #tpu.memory_space<vmem_shared>>
          tpu.enqueue_indirect_dma source(%arg14 : memref<80x128xf32, #tpu.memory_space<vmem>>) target(%dma_start3A_518 : memref<512x128xf32, #tpu.memory_space<vmem_shared>>) offsets(%dma_start3A_515 : memref<80xi32, #tpu.memory_space<vmem>>) semaphore(%run_scoped3A : memref<!tpu.dma_semaphore, #tpu.memory_space<semaphore_mem>>) {add = true}
          %dma_wait3A_519 = arith.constant 0 : i32
          %dma_wait3A_520 = tpu.memref_slice %arg19[%add3A_496, %dma_wait3A_519] : memref<4x80xi32, #tpu.memory_space<vmem>> -> memref<1x80xi32, #tpu.memory_space<vmem>>
          %dma_wait3A_521 = tpu.memref_squeeze %dma_wait3A_520 : memref<1x80xi32, #tpu.memory_space<vmem>> -> memref<80xi32, #tpu.memory_space<vmem>>
          %dma_wait3A_522 = arith.constant 0 : i32
          %dma_wait3A_523 = arith.constant 0 : i32
          %dma_wait3A_524 = tpu.memref_slice %arg8[%dma_wait3A_522, %dma_wait3A_523] : memref<512x128xf32, #tpu.memory_space<vmem_shared>> -> memref<512x128xf32, #tpu.memory_space<vmem_shared>>
          tpu.wait_indirect_dma semaphore(%run_scoped3A : memref<!tpu.dma_semaphore, #tpu.memory_space<semaphore_mem>>) src(%arg14 : memref<80x128xf32, #tpu.memory_space<vmem>>) dst(%dma_wait3A_524 : memref<512x128xf32, #tpu.memory_space<vmem_shared>>)
          tpu.yield
        }) : () -> ()
      } else {
      }
    }
    %scan3A_478 = arith.constant 2 : i32
    %barrier3A_479 = arith.constant 0 : index
    tpu.barrier barrier_id(%barrier3A_479)
    %mul3A_480 = arith.constant 32 : i32
    %mul3A_481 = arith.muli %arg1, %mul3A_480 : i32
    "tpu.region"() ({
      %run_scoped3A = tpu.sem_alloc : memref<!tpu.dma_semaphore, #tpu.memory_space<semaphore_mem>>
      %dma_start3A_488 = arith.constant 0 : i32
      %dma_start3A_489 = tpu.memref_slice %arg8[%mul3A_481, %dma_start3A_488] : memref<512x128xf32, #tpu.memory_space<vmem_shared>> -> memref<32x128xf32, #tpu.memory_space<vmem_shared>>
      %dma_start3A_490 = arith.constant 0 : i32
      %dma_start3A_491 = tpu.memref_slice %arg8[%mul3A_481, %dma_start3A_490] : memref<512x128xf32, #tpu.memory_space<vmem_shared>> -> memref<32x128xf32, #tpu.memory_space<vmem_shared>>
      tpu.enqueue_dma source(%dma_start3A_491 : memref<32x128xf32, #tpu.memory_space<vmem_shared>>) target(%arg20 : memref<32x128xf32, #tpu.memory_space<vmem>>) target_semaphore(%run_scoped3A : memref<!tpu.dma_semaphore, #tpu.memory_space<semaphore_mem>>)
      %dma_wait3A_492 = arith.constant 0 : i32
      %dma_wait3A_493 = tpu.memref_slice %arg8[%mul3A_481, %dma_wait3A_492] : memref<512x128xf32, #tpu.memory_space<vmem_shared>> -> memref<32x128xf32, #tpu.memory_space<vmem_shared>>
      %dma_wait3A_494 = arith.constant 0 : i32
      %dma_wait3A_495 = tpu.memref_slice %arg8[%mul3A_481, %dma_wait3A_494] : memref<512x128xf32, #tpu.memory_space<vmem_shared>> -> memref<32x128xf32, #tpu.memory_space<vmem_shared>>
      tpu.wait_dma2 semaphore(%run_scoped3A : memref<!tpu.dma_semaphore, #tpu.memory_space<semaphore_mem>>) src(%dma_wait3A_495 : memref<32x128xf32, #tpu.memory_space<vmem_shared>>) dst(%arg20 : memref<32x128xf32, #tpu.memory_space<vmem>>)
      tpu.yield
    }) : () -> ()
    %mul3A_482 = arith.constant 32 : i32
    %mul3A_483 = arith.muli %arg1, %mul3A_482 : i32
    "tpu.region"() ({
      %run_scoped3A = tpu.sem_alloc : memref<!tpu.dma_semaphore, #tpu.memory_space<semaphore_mem>>
      %dma_start3A_488 = arith.constant 0 : i32
      %dma_start3A_489 = tpu.memref_slice %arg6[%arg0, %mul3A_483, %dma_start3A_488] : memref<2x512x128xf32, #tpu.memory_space<hbm>> -> memref<1x32x128xf32, #tpu.memory_space<hbm>>
      %dma_start3A_490 = tpu.memref_squeeze %dma_start3A_489 : memref<1x32x128xf32, #tpu.memory_space<hbm>> -> memref<32x128xf32, #tpu.memory_space<hbm>>
      %dma_start3A_491 = arith.constant 0 : i32
      %dma_start3A_492 = tpu.memref_slice %arg6[%arg0, %mul3A_483, %dma_start3A_491] : memref<2x512x128xf32, #tpu.memory_space<hbm>> -> memref<1x32x128xf32, #tpu.memory_space<hbm>>
      %dma_start3A_493 = tpu.memref_squeeze %dma_start3A_492 : memref<1x32x128xf32, #tpu.memory_space<hbm>> -> memref<32x128xf32, #tpu.memory_space<hbm>>
      tpu.enqueue_dma source(%arg20 : memref<32x128xf32, #tpu.memory_space<vmem>>) target(%dma_start3A_493 : memref<32x128xf32, #tpu.memory_space<hbm>>) target_semaphore(%run_scoped3A : memref<!tpu.dma_semaphore, #tpu.memory_space<semaphore_mem>>)
      %dma_wait3A_494 = arith.constant 0 : i32
      %dma_wait3A_495 = tpu.memref_slice %arg6[%arg0, %mul3A_483, %dma_wait3A_494] : memref<2x512x128xf32, #tpu.memory_space<hbm>> -> memref<1x32x128xf32, #tpu.memory_space<hbm>>
      %dma_wait3A_496 = tpu.memref_squeeze %dma_wait3A_495 : memref<1x32x128xf32, #tpu.memory_space<hbm>> -> memref<32x128xf32, #tpu.memory_space<hbm>>
      %dma_wait3A_497 = arith.constant 0 : i32
      %dma_wait3A_498 = tpu.memref_slice %arg6[%arg0, %mul3A_483, %dma_wait3A_497] : memref<2x512x128xf32, #tpu.memory_space<hbm>> -> memref<1x32x128xf32, #tpu.memory_space<hbm>>
      %dma_wait3A_499 = tpu.memref_squeeze %dma_wait3A_498 : memref<1x32x128xf32, #tpu.memory_space<hbm>> -> memref<32x128xf32, #tpu.memory_space<hbm>>
      tpu.wait_dma2 semaphore(%run_scoped3A : memref<!tpu.dma_semaphore, #tpu.memory_space<semaphore_mem>>) src(%arg20 : memref<32x128xf32, #tpu.memory_space<vmem>>) dst(%dma_wait3A_499 : memref<32x128xf32, #tpu.memory_space<hbm>>)
      tpu.yield
    }) : () -> ()
    %mul3A_484 = arith.constant 32 : i32
    %mul3A_485 = arith.muli %arg1, %mul3A_484 : i32
    "tpu.region"() ({
      %run_scoped3A = tpu.sem_alloc : memref<!tpu.dma_semaphore, #tpu.memory_space<semaphore_mem>>
      %dma_start3A_488 = arith.constant 0 : i32
      %dma_start3A_489 = tpu.memref_slice %arg9[%mul3A_485, %dma_start3A_488] : memref<512x128xf32, #tpu.memory_space<vmem_shared>> -> memref<32x128xf32, #tpu.memory_space<vmem_shared>>
      %dma_start3A_490 = arith.constant 0 : i32
      %dma_start3A_491 = tpu.memref_slice %arg9[%mul3A_485, %dma_start3A_490] : memref<512x128xf32, #tpu.memory_space<vmem_shared>> -> memref<32x128xf32, #tpu.memory_space<vmem_shared>>
      tpu.enqueue_dma source(%dma_start3A_491 : memref<32x128xf32, #tpu.memory_space<vmem_shared>>) target(%arg20 : memref<32x128xf32, #tpu.memory_space<vmem>>) target_semaphore(%run_scoped3A : memref<!tpu.dma_semaphore, #tpu.memory_space<semaphore_mem>>)
      %dma_wait3A_492 = arith.constant 0 : i32
      %dma_wait3A_493 = tpu.memref_slice %arg9[%mul3A_485, %dma_wait3A_492] : memref<512x128xf32, #tpu.memory_space<vmem_shared>> -> memref<32x128xf32, #tpu.memory_space<vmem_shared>>
      %dma_wait3A_494 = arith.constant 0 : i32
      %dma_wait3A_495 = tpu.memref_slice %arg9[%mul3A_485, %dma_wait3A_494] : memref<512x128xf32, #tpu.memory_space<vmem_shared>> -> memref<32x128xf32, #tpu.memory_space<vmem_shared>>
      tpu.wait_dma2 semaphore(%run_scoped3A : memref<!tpu.dma_semaphore, #tpu.memory_space<semaphore_mem>>) src(%dma_wait3A_495 : memref<32x128xf32, #tpu.memory_space<vmem_shared>>) dst(%arg20 : memref<32x128xf32, #tpu.memory_space<vmem>>)
      tpu.yield
    }) : () -> ()
    %mul3A_486 = arith.constant 32 : i32
    %mul3A_487 = arith.muli %arg1, %mul3A_486 : i32
    "tpu.region"() ({
      %run_scoped3A = tpu.sem_alloc : memref<!tpu.dma_semaphore, #tpu.memory_space<semaphore_mem>>
      %dma_start3A_488 = arith.constant 0 : i32
      %dma_start3A_489 = tpu.memref_slice %arg7[%arg0, %mul3A_487, %dma_start3A_488] : memref<2x512x128xf32, #tpu.memory_space<hbm>> -> memref<1x32x128xf32, #tpu.memory_space<hbm>>
      %dma_start3A_490 = tpu.memref_squeeze %dma_start3A_489 : memref<1x32x128xf32, #tpu.memory_space<hbm>> -> memref<32x128xf32, #tpu.memory_space<hbm>>
      %dma_start3A_491 = arith.constant 0 : i32
      %dma_start3A_492 = tpu.memref_slice %arg7[%arg0, %mul3A_487, %dma_start3A_491] : memref<2x512x128xf32, #tpu.memory_space<hbm>> -> memref<1x32x128xf32, #tpu.memory_space<hbm>>
      %dma_start3A_493 = tpu.memref_squeeze %dma_start3A_492 : memref<1x32x128xf32, #tpu.memory_space<hbm>> -> memref<32x128xf32, #tpu.memory_space<hbm>>
      tpu.enqueue_dma source(%arg20 : memref<32x128xf32, #tpu.memory_space<vmem>>) target(%dma_start3A_493 : memref<32x128xf32, #tpu.memory_space<hbm>>) target_semaphore(%run_scoped3A : memref<!tpu.dma_semaphore, #tpu.memory_space<semaphore_mem>>)
      %dma_wait3A_494 = arith.constant 0 : i32
      %dma_wait3A_495 = tpu.memref_slice %arg7[%arg0, %mul3A_487, %dma_wait3A_494] : memref<2x512x128xf32, #tpu.memory_space<hbm>> -> memref<1x32x128xf32, #tpu.memory_space<hbm>>
      %dma_wait3A_496 = tpu.memref_squeeze %dma_wait3A_495 : memref<1x32x128xf32, #tpu.memory_space<hbm>> -> memref<32x128xf32, #tpu.memory_space<hbm>>
      %dma_wait3A_497 = arith.constant 0 : i32
      %dma_wait3A_498 = tpu.memref_slice %arg7[%arg0, %mul3A_487, %dma_wait3A_497] : memref<2x512x128xf32, #tpu.memory_space<hbm>> -> memref<1x32x128xf32, #tpu.memory_space<hbm>>
      %dma_wait3A_499 = tpu.memref_squeeze %dma_wait3A_498 : memref<1x32x128xf32, #tpu.memory_space<hbm>> -> memref<32x128xf32, #tpu.memory_space<hbm>>
      tpu.wait_dma2 semaphore(%run_scoped3A : memref<!tpu.dma_semaphore, #tpu.memory_space<semaphore_mem>>) src(%arg20 : memref<32x128xf32, #tpu.memory_space<vmem>>) dst(%dma_wait3A_499 : memref<32x128xf32, #tpu.memory_space<hbm>>)
      tpu.yield
    }) : () -> ()
    return
  }
}

module attributes {stable_mosaic.version = 14 : i64} {
  func.func @_combine_body(%arg0: memref<2x512x128xf32, #tpu.memory_space<vmem>>, %arg1: memref<2x512x128xf32, #tpu.memory_space<vmem>>, %arg2: memref<512x128xf32, #tpu.memory_space<vmem>>, %arg3: memref<512x384xf32, #tpu.memory_space<vmem>>) attributes {dimension_semantics = [], scalar_prefetch = 0 : i64, scratch_operands = 0 : i64, tpu.core_type = #tpu.core_type<tc>} {
    %get3A = arith.constant 0 : index
    %get3A_0 = arith.constant 0 : index
    %get3A_1 = arith.constant 0 : index
    %get3A_2 = vector.load %arg0[%get3A, %get3A_0, %get3A_1] : memref<2x512x128xf32, #tpu.memory_space<vmem>>, vector<1x512x128xf32>
    %get3A_3 = vector.shape_cast %get3A_2 : vector<1x512x128xf32> to vector<512x128xf32>
    %get3A_4 = arith.constant 1 : index
    %get3A_5 = arith.constant 0 : index
    %get3A_6 = arith.constant 0 : index
    %get3A_7 = vector.load %arg0[%get3A_4, %get3A_5, %get3A_6] : memref<2x512x128xf32, #tpu.memory_space<vmem>>, vector<1x512x128xf32>
    %get3A_8 = vector.shape_cast %get3A_7 : vector<1x512x128xf32> to vector<512x128xf32>
    %add3A = arith.addf %get3A_3, %get3A_8 : vector<512x128xf32>
    %swap3A = arith.constant 0 : index
    %swap3A_9 = arith.constant 0 : index
    %swap3A_10 = vector.load %arg3[%swap3A, %swap3A_9] : memref<512x384xf32, #tpu.memory_space<vmem>>, vector<512x128xf32>
    tpu.vector_store %arg3[%swap3A, %swap3A_9], %add3A {strides = array<i32>} : memref<512x384xf32, #tpu.memory_space<vmem>>, vector<512x128xf32>,
    %get3A_11 = arith.constant 0 : index
    %get3A_12 = arith.constant 0 : index
    %get3A_13 = arith.constant 0 : index
    %get3A_14 = vector.load %arg1[%get3A_11, %get3A_12, %get3A_13] : memref<2x512x128xf32, #tpu.memory_space<vmem>>, vector<1x512x128xf32>
    %get3A_15 = vector.shape_cast %get3A_14 : vector<1x512x128xf32> to vector<512x128xf32>
    %get3A_16 = arith.constant 1 : index
    %get3A_17 = arith.constant 0 : index
    %get3A_18 = arith.constant 0 : index
    %get3A_19 = vector.load %arg1[%get3A_16, %get3A_17, %get3A_18] : memref<2x512x128xf32, #tpu.memory_space<vmem>>, vector<1x512x128xf32>
    %get3A_20 = vector.shape_cast %get3A_19 : vector<1x512x128xf32> to vector<512x128xf32>
    %add3A_21 = arith.addf %get3A_15, %get3A_20 : vector<512x128xf32>
    %swap3A_22 = arith.constant 0 : index
    %swap3A_23 = arith.constant 128 : index
    %swap3A_24 = vector.load %arg3[%swap3A_22, %swap3A_23] : memref<512x384xf32, #tpu.memory_space<vmem>>, vector<512x128xf32>
    tpu.vector_store %arg3[%swap3A_22, %swap3A_23], %add3A_21 {strides = array<i32>} : memref<512x384xf32, #tpu.memory_space<vmem>>, vector<512x128xf32>,
    %get3A_25 = arith.constant 0 : index
    %get3A_26 = arith.constant 0 : index
    %get3A_27 = vector.load %arg2[%get3A_25, %get3A_26] : memref<512x128xf32, #tpu.memory_space<vmem>>, vector<512x128xf32>
    %swap3A_28 = arith.constant 0 : index
    %swap3A_29 = arith.constant 256 : index
    %swap3A_30 = vector.load %arg3[%swap3A_28, %swap3A_29] : memref<512x384xf32, #tpu.memory_space<vmem>>, vector<512x128xf32>
    tpu.vector_store %arg3[%swap3A_28, %swap3A_29], %get3A_27 {strides = array<i32>} : memref<512x384xf32, #tpu.memory_space<vmem>>, vector<512x128xf32>,
    return
  }
}

</mosaic_0001>

<sc_bundles>
// kernel: kernel.4.cloned.1.call-start
scs
__scs_entry_jumppad:
0x0: {  	(pc) =	sbr.rel $0x88, $3  }
0x1: {  	(tag) =	ssettag $0x0;
	lr =	simm.s32 $0x1  }
0x2: {  	[smem:$0x3F9C] =	sst lr;
	_ =	strace $0xD0000000  }
0x3: {  	_ = 	snop  }
0x4: {  	_ = 	snop  }
0x5: {  	_ = 	snop  }
0x6: {  	_ = 	snop  }
0x7: {  	_ = 	snop  }
__scs_overlays_trampoline_lowered:
0x8: {  	[smem:$0x3FAB] =	sst s0  }
0x9: {  	[smem:$0x3FAC] =	sst s1  }
0xa: {  	[smem:$0x3FAD] =	sst s2  }
0xb: {  	[smem:$0x3FAE] =	sst s3  }
0xc: {  	[smem:$0x3FAF] =	sst s4  }
0xd: {  	[smem:$0x3FB0] =	sst s5  }
0xe: {  	[smem:$0x3FB1] =	sst s6  }
0xf: {  	[smem:$0x3FB2] =	sst s7  }
0x10: {  	[smem:$0x3FB3] =	sst s8  }
0x11: {  	[smem:$0x3FB4] =	sst s9;
	s0 =	simm.s32 @!p0 $0x0  }
0x12: {  	s1 =	sld [smem:$0x3F9A];
	s0 =	simm.s32 @p0 $0x1  }
0x13: {  	[smem:$0x3FB5] =	sst s0;
	s0 =	simm.s32 @!p1 $0x0  }
0x14: {  	s2 =	sld [smem:$0x3F99];
	s0 =	simm.s32 @p1 $0x1  }
0x15: {  	[smem:$0x3FB6] =	sst s0;
	s0 =	simm.s32 @!p2 $0x0  }
0x16: {  	s3 =	sld [smem:$0x3FDB];
	s0 =	simm.s32 @p2 $0x1  }
0x17: {  	s4 =	simm.s32 $0x1BF5;
	[smem:$0x3FB8] =	sst s0  }
0x18: {  	s0 =	sld [smem:$0x3F9B];
	_ =	swait.ge [sflag:s4], $0x0  }
0x19: {  	s7 =	sld [smem:$0x3F9C]  }
0x1a: {  	s8 =	sadd.s32 $0xFFFFE003, lr  }
0x1b: {  	s9 =	sadd.s32 $0xFFFFFEF7, lr;
	s5 =	simm.s32 $0xFFFFFFFF;
	p2 =	slt.u32 s8, $0xFFFFF086  }
0x1c: {  	p1 =	slt.u32 s9, $0xF7A;
	s5 =	simm.s32 @!p2 $0x0  }
0x1d: {  	s5 =	simm.s32 @p1 $0x1;
	p0 =	seq.s32 s7, s2  }
0x1e: {  	s7 =	smul.u32 @!p0 $0xF7A, s2;
	p2 =	seq.s32 @!p0 s5, $0x0  }
0x1f: {  	s9 =	smul.u32 $0xF7A, s1;
	s8 =	simm.s32 @!p0 $0x1BF5;
	p2 =	por !p2, p0  }
0x20: {  	[sflag:s8] =	ssyncset.s32 @!p0 $0xFFFFF086;
	s6 =	sadd.s32 @!p0 s3, s7;
	s7 =	simm.s32 @!p0 $0x108  }
0x21: {  	s3 =	sadd.s32 s3, s9;
	s6 =	sadd.s32 @!p0 $0x88, s6;
	s7 =	simm.s32 @p2 $0x1082  }
0x22: {  	[simem:s7], [sflag:s8] =	dma.local @!p0 [hbm:s6], $0xF7A  }
0x23: {  	s9 =	sor.u32 $0xD0000000, s2;
	s6 =	simm.s32 $0x108;
	_ =	swait.ge @!p0 [sflag:s8], $0x0  }
0x24: {  	s3 =	sadd.s32 $0x88, s3;
	s6 =	simm.s32 @!p1 $0x1082;
	[sflag:s4] =	ssyncset.s32 $0xFFFFF086  }
0x25: {  	[simem:s6], [sflag:s4] =	dma.local [hbm:s3], $0xF7A  }
0x26: {  	[smem:$0x3F9C] =	sst s1;
	(tag) =	ssettag s2;
	_ =	strace s9  }
0x27: {  	s1 =	sld [smem:$0x3FAC]  }
0x28: {  	s2 =	sld [smem:$0x3FAD]  }
0x29: {  	s4 =	sld [smem:$0x3FAF]  }
0x2a: {  	p0 =	seq.s32 s5, $0x0;
	s5 =	sld [smem:$0x3FB0]  }
0x2b: {  	s6 =	sld [smem:$0x3FB1]  }
0x2c: {  	s7 =	sld [smem:$0x3FB2]  }
0x2d: {  	s3 =	simm.s32 $0x108;
	s8 =	sld [smem:$0x3FB3]  }
0x2e: {  	s3 =	simm.s32 @!p0 $0x1082;
	s9 =	sld [smem:$0x3FB4]  }
0x2f: {  	lr =	sadd.s32 s0, s3;
	s0 =	sld [smem:$0x3FAB]  }
0x30: {  	s3 =	sld [smem:$0x3FAE]  }
0x31: {  	[smem:$0x3FB7] =	sst s10  }
0x32: {  	s10 =	sld [smem:$0x3FB5];
	_ =	sdelay $0x3  }
0x33: {  	p0 =	seq.s32 s10, $0x1;
	s10 =	sld [smem:$0x3FB7];
	_ =	sdelay $0x3  }
0x34: {  	[smem:$0x3FB7] =	sst s10  }
0x35: {  	s10 =	sld [smem:$0x3FB6];
	_ =	sdelay $0x3  }
0x36: {  	p1 =	seq.s32 s10, $0x1;
	s10 =	sld [smem:$0x3FB7];
	_ =	sdelay $0x3  }
0x37: {  	[smem:$0x3FB7] =	sst s10  }
0x38: {  	s10 =	sld [smem:$0x3FB8]  }
0x39: {  	_ = 	snop;
	(pc) =	sbr.ind lr, $3  }
0x3a: {  	_ = 	snop  }
0x3b: {  	_ = 	snop  }
0x3c: {  	p2 =	seq.s32 s10, $0x1;
	s10 =	sld [smem:$0x3FB7]  }
0x3d: {  	_ =	shalt  }
0x3e: {  	_ =	shalt  }
0x3f: {  	_ =	shalt  }
0x40: {  	_ =	shalt  }
0x41: {  	_ =	shalt  }
0x42: {  	_ =	shalt  }
0x43: {  	_ =	shalt  }
0x44: {  	_ =	shalt  }
0x45: {  	_ =	shalt  }
0x46: {  	_ =	shalt  }
0x47: {  	_ =	shalt  }
0x48: {  	_ =	shalt  }
0x49: {  	_ =	shalt  }
0x4a: {  	_ =	shalt  }
0x4b: {  	_ =	shalt  }
0x4c: {  	_ =	shalt  }
0x4d: {  	_ =	shalt  }
0x4e: {  	_ =	shalt  }
0x4f: {  	_ =	shalt  }
0x50: {  	_ =	shalt  }
0x51: {  	_ =	shalt  }
0x52: {  	_ =	shalt  }
0x53: {  	_ =	shalt  }
0x54: {  	_ =	shalt  }
0x55: {  	_ =	shalt  }
0x56: {  	_ =	shalt  }
0x57: {  	_ =	shalt  }
0x58: {  	_ =	shalt  }
0x59: {  	_ =	shalt  }
0x5a: {  	_ =	shalt  }
0x5b: {  	_ =	shalt  }
0x5c: {  	_ =	shalt  }
0x5d: {  	_ =	shalt  }
0x5e: {  	_ =	shalt  }
0x5f: {  	_ =	shalt  }
0x60: {  	_ =	shalt  }
0x61: {  	_ =	shalt  }
0x62: {  	_ =	shalt  }
0x63: {  	_ =	shalt  }
0x64: {  	_ =	shalt  }
0x65: {  	_ =	shalt  }
0x66: {  	_ =	shalt  }
0x67: {  	_ =	shalt  }
0x68: {  	_ =	shalt  }
0x69: {  	_ =	shalt  }
0x6a: {  	_ =	shalt  }
0x6b: {  	_ =	shalt  }
0x6c: {  	_ =	shalt  }
0x6d: {  	_ =	shalt  }
0x6e: {  	_ =	shalt  }
0x6f: {  	_ =	shalt  }
0x70: {  	_ =	shalt  }
0x71: {  	_ =	shalt  }
0x72: {  	_ =	shalt  }
0x73: {  	_ =	shalt  }
0x74: {  	_ =	shalt  }
0x75: {  	_ =	shalt  }
0x76: {  	_ =	shalt  }
0x77: {  	_ =	shalt  }
0x78: {  	_ =	shalt  }
0x79: {  	_ =	shalt  }
0x7a: {  	_ =	shalt  }
0x7b: {  	_ =	shalt  }
0x7c: {  	_ =	shalt  }
0x7d: {  	_ =	shalt  }
0x7e: {  	_ =	shalt  }
0x7f: {  	_ =	shalt  }
0x80: {  	_ =	shalt  }
0x81: {  	_ =	shalt  }
0x82: {  	_ =	shalt  }
0x83: {  	_ =	shalt  }
0x84: {  	_ =	shalt  }
0x85: {  	_ =	shalt  }
0x86: {  	_ =	shalt  }
0x87: {  	_ =	shalt  }
.Lfunc_end0:
.L_simem_size_0:
called_computation_lowered:
.L_overlay_start_0:
0x88: {  	s2 =	sld [smem:$0x3FD9]  }
0x89: {  	s3 =	sld [smem:$0x3FFE];
	_ =	sdelay $0x1  }
0x8a: {  	s1 =	srdreg.scid  }
0x8b: {  	s0 =	sand.u32 $0x1, s1  }
0x8c: {  	s17 =	sshll.u32 s0, $0xA;
	s2 =	sadd.s32 s3, s2  }
0x8d: {  	s2 =	sadd.s32 s2, s17  }
0x8e: {  	[smem:$0x3FC3] =	sst s2  }
0x8f: {  	_ = 	snop  }
0x90: {  	s2 =	sld [smem:$0x3FC9]  }
0x91: {  	s18 =	sld [smem:$0x3FC8]  }
0x92: {  	s4 =	sld [smem:$0x3FC6]  }
0x93: {  	s5 =	sld [smem:$0x3FC5]  }
0x94: {  	s6 =	sld [smem:$0x3FD0];
	(tm) =	ssettm $0x1  }
0x95: {  	s7 =	sld [smem:$0x3FFB];
	_ =	sdelay $0x3  }
0x96: {  	_ =	strace s7  }
0x97: {  	s7 =	sld [smem:$0x3FFC];
	_ =	sdelay $0x3  }
0x98: {  	_ =	strace s7  }
0x99: {  	s7 =	sld [smem:$0x3FFD];
	_ =	sdelay $0x3  }
0x9a: {  	_ =	strace s7  }
0x9b: {  	_ =	strace $0x8FFFFFFF  }
0x9c: {  	s19 =	sld [smem:$0x3FDB];
	_ =	sdelay $0x1  }
0x9d: {  	s8 =	simm.s32 $_scs_section_size  }
0x9e: {  	s9 =	simm.s32 $_size__tile_overlayer_lowered;
	s10 =	simm.s32 $_tile_overlayer_lowered  }
0x9f: {  	s22 =	simm.s32 $0x1BFF;
	s21 =	sshll.u32 s10, $0x1;
	s7 =	sadd.s32 s8, s19  }
0xa0: {  	s11 =	simm.s32 $0x0;
	s20 =	sshll.u32 s9, $0x1;
	s9 =	sadd.s32 s21, s7  }
0xa1: {  	[timem:s11], [sflag:s22] =	dma.local [hbm:s9], s20  }
0xa2: {  	_ =	swait.ge [sflag:s22], s20  }
0xa3: {  	s8 =	ssub.s32 $0x0, s20;
	[sflag:s22] =	ssyncset.done $0x0  }
0xa4: {  	[sflag:s22] =	ssyncadd.s32 s8;
	_ =	sdelay $0x1  }
0xa5: {  	s23 =	simm.s32 $0x1B8B  }
0xa6: {  	_ =	swait.ge [sflag:s23], $0x1  }
0xa7: {  	[sflag:s23] =	ssyncset.done $0x0  }
0xa8: {  	s25 =	simm.s32 $0x1B8E;
	s24 =	sld [smem:$0x3FFE];
	[sflag:s23] =	ssyncadd.s32 $0xFFFFFFFF  }
0xa9: {  	s26 =	simm.s32 $execute0_lowered;
	[smem:$0x3FD2] =	sst s25  }
0xaa: {  	s9 =	sshll.u32 s26, $0x1;
	_ =	strace $0x80000046;
	[dreg:$0x1] =	wrdreg $0xFFFFFFFF  }
0xab: {  	s28 =	simm.s32 $_size_execute0_lowered;
	s7 =	sadd.s32 s7, s9;
	[dreg:$0x0] =	wrdreg $0x0  }
0xac: {  	s9 =	sshll.u32 s28, $0x1;
	[dreg:$0x2] =	wrdreg s7  }
0xad: {  	[dreg:$0x3] =	wrdreg s9  }
0xae: {  	[dreg:$0x4] =	wrdreg $0xC0  }
0xaf: {  	_ =	task [dreg:s11], $0x5FFFF  }
0xb0: {  	[dreg:$0x1] =	wrdreg $0xFFFFFFFF  }
0xb1: {  	[dreg:$0x0] =	wrdreg $0x60  }
0xb2: {  	[dreg:$0x2] =	wrdreg s18  }
0xb3: {  	[dreg:$0x3] =	wrdreg s5  }
0xb4: {  	[dreg:$0x4] =	wrdreg s2  }
0xb5: {  	[dreg:$0x5] =	wrdreg s4  }
0xb6: {  	[dreg:$0x6] =	wrdreg s6  }
0xb7: {  	[dreg:$0x7] =	wrdreg s24  }
0xb8: {  	[dreg:$0x8] =	wrdreg $0x0  }
0xb9: {  	[dreg:$0x9] =	wrdreg $0x10000  }
0xba: {  	[dreg:$0xa] =	wrdreg $0x9  }
0xbb: {  	_ =	task.clear_ibuf [dreg:s11], $0xBFFFF;
	_ =	strace $0x90000046  }
0xbc: {  	s29 =	simm.s32 $0x9;
	_ =	strace $0x80000048  }
0xbd: {  	_ =	swait.ge [sflag:s29], $0x1  }
0xbe: {  	[sflag:s29] =	ssyncadd.s32 $0xFFFFFFFF  }
0xbf: {  	_ =	strace $0x90000048  }
0xc0: {  	_ =	sfence  }
0xc1: {  	s30 =	sld [smem:$0x0];
	_ =	sdelay $0x2  }
0xc2: {  	s31 =	sshll.u32 s1, $0xD;
	s1 =	sshrl.u32 s1, $0x2  }
0xc3: {  	s3 =	sand.u32 $0x4000, s31;
	s1 =	sadd.s32 s1, s30  }
0xc4: {  	s0 =	sor.u32 s3, s0;
	s1 =	sshll.u32 s1, $0x11  }
0xc5: {  	s0 =	sor.u32 s1, s0  }
0xc6: {  	s0 =	sadd.s32 $0x8F2B, s0  }
0xc7: {  	[sflag:s0] =	ssyncadd.remote.s32 $0x1  }
0xc8: {  	_ =	sfence.sel $0xFFFF  }
0xc9: {  	[dreg:$0x0] =	wrdreg $0xFFFFFFFF;
	(pc) =	sbr.abs _section_cstart, $3  }
0xca: {  	[dreg:$0x1] =	wrdreg $0xFFFFFFFF  }
0xcb: {  	_ =	task.clear_ibuf [dreg:s11], $0x2FFFF;
	_ =	strace $0x9FFFFFFF  }
0xcc: {  	(tm) =	ssettm $0x7FFFFFFF  }
0xcd: {  	_ =	shalt  }
tec
execute0_lowered:
.L_overlay_start_1:
0x0: {  	(tag) =	ssettag $0x1  }
0x1: {  	s0 =	rddreg [dreg:$0x0]  }
0x2: {  	s1 =	rddreg [dreg:$0x1]  }
0x3: {  	s4 =	rddreg [dreg:$0x2]  }
0x4: {  	s2 =	rddreg [dreg:$0x3]  }
0x5: {  	s12 =	rddreg [dreg:$0x4]  }
0x6: {  	s7 =	rddreg [dreg:$0x5]  }
0x7: {  	s3 =	rddreg [dreg:$0x6]  }
0x8: {  	s5 =	rddreg [dreg:$0x7];
	s6 =	srdreg.scid  }
0x9: {  	s16 =	stileid.u32;
	s13 =	sand.u32 $0x1, s6;
	s6 =	simm.s32 $0x0  }
0xa: {  	s10 =	sshll.u32 s16, $0xC;
	s26 =	sshll.u32 s16, $0x1;
	p0 =	seq.s32 s16, $0x0  }
0xb: {  	s28 =	sshll.u32 s16, $0x8;
	s30 =	smul.u32 $0xA0, s16;
	s8 =	sshll.u32 s13, $0x10  }
0xc: {  	[smem:$0x7FF] =	sst s6;
	s9 =	ssub.s32 $0x2, s13;
	s11 =	sor.u32 s13, s26  }
0xd: {  	s18 =	sshll.u32 s13, $0x7;
	s16 =	smul.u32 $0x50, s13;
	s8 =	sor.u32 s10, s8  }
0xe: {  	_ =	strace $0x80000047;
	s25 =	sshrl.u32 s9, $0x1;
	s17 =	sshll.u32 s11, $0x8  }
0xf: {  	s14 =	sshrl.u32 s8, $0x3;
	s24 =	ssub.s32 s9, s25;
	s8 =	simm.s32 $0x4  }
0x10: {  	s19 =	sor.u32 $0x2000, s17;
	s20 =	sor.u32 $0x4000, s17;
	s21 =	sor.u32 $0x20, s17  }
0x11: {  	s22 =	sor.u32 $0x2020, s17;
	s23 =	sor.u32 $0x4020, s17;
	s13 =	sor.u32 $0x40, s17  }
0x12: {  	s26 =	sor.u32 $0x4060, s17;
	s29 =	sor.u32 $0x2080, s17;
	s25 =	sor.u32 $0x20A0, s17  }
0x13: {  	s31 =	sor.u32 $0xA0, s17;
	s12 =	sadd.s32 s12, s14;
	[dreg:$0x16] =	wrdreg s25  }
0x14: {  	v0 =	vlaneseq.u32;
	s15 =	sadd.s32 s14, s7;
	s25 =	sor.u32 $0x20C0, s17;
	[dreg:$0xa] =	wrdreg s12  }
0x15: {  	v23 =	vmul.u32 $0x2, v0;
	s7 =	simm.s32 $0x28;
	[dreg:$0x13] =	wrdreg s25;
	s25 =	sor.u32 $0x40C0, s17  }
0x16: {  	s7 =	simm.s32 @!p0 $0x27;
	p0 =	slt.u32 s11, $0x1D;
	[dreg:$0x14] =	wrdreg s25  }
0x17: {  	v3 =	vor.u32 s21, v23;
	s11 =	smul.u32 $0x500, s11;
	s25 =	sor.u32 $0xE0, s17;
	s21 =	rddreg [dreg:$0x13]  }
0x18: {  	s14 =	sadd.s32 s16, s30;
	s9 =	simm.s32 @!p0 $0x0;
	[dreg:$0x15] =	wrdreg s25  }
0x19: {  	v4 =	vor.u32 s22, v23;
	s9 =	simm.s32 @p0 $0x1;
	s11 =	sadd.s32 s4, s11;
	s22 =	rddreg [dreg:$0x14]  }
0x1a: {  	s4 =	sor.u32 s18, s28;
	s18 =	sadd.s32 $0xE00, s15;
	[smem:$0x7FD] =	sst s9  }
0x1b: {  	s30 =	sor.u32 $0x4080, s17;
	s25 =	sor.u32 $0x20E0, s17;
	[dreg:$0xc] =	wrdreg s18  }
0x1c: {  	s16 =	sor.u32 $0xC0, s17;
	v5 =	vor.u32 s23, v23;
	s23 =	simm.s32 $0x14780;
	[dreg:$0x11] =	wrdreg s25  }
0x1d: {  	v13 =	vor.u32 s29, v23;
	s29 =	simm.s32 $0xE000;
	s15 =	sor.u32 $0x2060, s17;
	[dreg:$0x9] =	wrdreg s11  }
0x1e: {  	v6 =	vor.u32 s13, v23;
	v15 =	vor.u32 s31, v23;
	s31 =	simm.s32 $0x8;
	s13 =	simm.s32 $0x9;
	v10 =	vor.u32 s15, v23;
	s15 =	rddreg [dreg:$0x16]  }
0x1f: {  	v11 =	vor.u32 s26, v23;
	s12 =	sor.u32 $0x60, s17;
	s18 =	sor.u32 $0x40A0, s17;
	s26 =	rddreg [dreg:$0x15]  }
0x20: {  	v18 =	vor.u32 s16, v23;
	s16 =	simm.s32 $0x0;
	s25 =	sor.u32 $0x40E0, s17;
	[dreg:$0x17] =	wrdreg s18  }
0x21: {  	s28 =	sor.u32 $0x80, s17;
	s4 =	sshrl.u32 s4, $0x3;
	[dreg:$0x12] =	wrdreg s25  }
0x22: {  	s8 =	simm.s32 @!p0 $0x3;
	v12 =	vor.u32 s28, v23;
	s1 =	sadd.s32 s4, s1;
	s28 =	rddreg [dreg:$0x11]  }
0x23: {  	v1 =	vor.u32 s19, v23;
	s19 =	sadd.s32 $0xFFFFFFFC, s7;
	s18 =	smax.u32 s24, $0x1;
	[dreg:$0xb] =	wrdreg s1  }
0x24: {  	s9 =	sadd.s32 s10, s3;
	s24 =	sadd.s32 $0xA000, s11;
	[dreg:$0xd] =	wrdreg s18  }
0x25: {  	v24 =	vimm.f32 $0.0e+00;
	v0 =	vor.u32 s17, v23;
	s10 =	sadd.s32 s10, s5;
	s25 =	sadd.s32 $0x14000, s11;
	[dreg:$0xe] =	wrdreg s24  }
0x26: {  	v2 =	vor.u32 s20, v23;
	v14 =	vor.u32 s30, v23;
	v9 =	vor.u32 s12, v23;
	s4 =	sor.u32 $0x4040, s17;
	s11 =	sadd.s32 $0x1E000, s11;
	[dreg:$0xf] =	wrdreg s25  }
0x27: {  	v19 =	vor.u32 s21, v23;
	v20 =	vor.u32 s22, v23;
	v16 =	vor.u32 s15, v23;
	s15 =	simm.s32 $0xB;
	s1 =	sor.u32 $0x2040, s17;
	s20 =	rddreg [dreg:$0x17]  }
0x28: {  	v21 =	vor.u32 s26, v23;
	s17 =	sadd.s32 $0xFFFFFFFE, s7;
	s18 =	sadd.s32 $0xFFFFFFFD, s7;
	v8 =	vor.u32 s4, v23;
	v22 =	vor.u32 s28, v23;
	s30 =	rddreg [dreg:$0x12]  }
0x29: {  	[dreg:$0x10] =	wrdreg s11;
	s24 =	simm.s32 $0xA;
	s25 =	simm.s32 $0x1;
	v7 =	vor.u32 s1, v23;
	v17 =	vor.u32 s20, v23;
	v23 =	vor.u32 s30, v23  }
.LBB2_1:
0x2a: {  	s20 =	simm.s32 $0x13180;
	s21 =	rddreg [dreg:$0xb];
	s22 =	smov.u32 s7  }
.LBB2_2:
0x2b: {  	p1 =	sne.s32 s22, $0x1  }
.Ltmp0:
0x2c: {  	_ = 	snop;
	(pc) =	sbr.rel @p1 .LBB2_2-.Ltmp0, $3  }
0x2d: {  	_ =	sdelay $0x1  }
0x2e: {  	[tilespmem:s20], [sflag:$0x1] =	stream.linear.gather [hbm4b:s21+s6], $0x80, $0x38;
	[tilespmem:$0x15780] =	vst v63  }
0x2f: {  	s21 =	sadd.s32 $0x200, s21;
	s20 =	sadd.s32 $0x80, s20;
	s22 =	sadd.s32 $0xFFFFFFFF, s22  }
0x30: {  	p1 =	sne.s32 s8, $0x1  }
.Ltmp1:
0x31: {  	_ = 	snop;
	(pc) =	sbr.rel @!p1 .LBB2_5-.Ltmp1, $4  }
0x32: {  	s21 =	sshrl.u32 s14, $0x3  }
0x33: {  	s20 =	simm.s32 $0x14580;
	s26 =	simm.s32 $0x0;
	s21 =	sadd.s32 s2, s21  }
0x34: {  	[tilespmem:s20], [sflag:$0x1] =	stream.linear.gather [hbm4b:s21+s26], $0x50, $0x38;
	[tilespmem:$0x15780] =	vst v63  }
0x35: {  	s22 =	sadd.s32 $0xA00, s14;
	s21 =	sadd.s32 $0xFFFFFFFF, s8  }
.LBB2_4:
0x36: {  	s26 =	sshrl.u32 s22, $0x3  }
0x37: {  	p2 =	sne.s32 s21, $0x1;
	s21 =	sadd.s32 $0xFFFFFFFF, s21;
	s20 =	sadd.s32 $0x80, s20  }
.Ltmp2:
0x38: {  	s11 =	sadd.s32 s2, s26;
	s26 =	simm.s32 $0x0;
	(pc) =	sbr.rel @p2 .LBB2_4-.Ltmp2, $3  }
0x39: {  	[tilespmem:s20], [sflag:$0x1] =	stream.linear.gather [hbm4b:s11+s26], $0x50, $0x38;
	[tilespmem:$0x15780] =	vst v63  }
0x3a: {  	_ =	sdelay $0x1  }
0x3b: {  	s22 =	sadd.s32 $0xA00, s22  }
.LBB2_5:
0x3c: {  	p2 =	sne.s32 s26, $0x3E00  }
.Ltmp3:
0x3d: {  	_ = 	snop;
	(pc) =	sbr.rel @!p2 .LBB2_7-.Ltmp3, $2  }
0x3e: {  	_ =	sdelay $0x2  }
0x3f: {  	s20 =	sshra.s32 s26, $0x2;
	s21 =	sadd.s32 $0x200, s26  }
.LBB2_6:
0x40: {  	p2 =	sne.s32 s21, $0x3E00;
	[tilespmem:s20+$0x147F0] =	vst v24  }
0x41: {  	[tilespmem:s20+$0x14780] =	vst v24  }
0x42: {  	[tilespmem:s20+$0x14790] =	vst v24  }
.Ltmp4:
0x43: {  	[tilespmem:s20+$0x147A0] =	vst v24;
	(pc) =	sbr.rel @p2 .LBB2_6-.Ltmp4, $4  }
0x44: {  	[tilespmem:s20+$0x147B0] =	vst v24  }
0x45: {  	[tilespmem:s20+$0x147C0] =	vst v24  }
0x46: {  	[tilespmem:s20+$0x147D0] =	vst v24  }
0x47: {  	[tilespmem:s20+$0x147E0] =	vst v24;
	s20 =	sshra.s32 s21, $0x2;
	s21 =	sadd.s32 $0x200, s21  }
.LBB2_7:
0x48: {  	[tilespmem:s20+$0x147F0] =	vst v24  }
0x49: {  	[tilespmem:s20+$0x14780] =	vst v24  }
0x4a: {  	[tilespmem:s20+$0x14790] =	vst v24  }
0x4b: {  	[tilespmem:s20+$0x147A0] =	vst v24  }
0x4c: {  	[tilespmem:s20+$0x147B0] =	vst v24  }
0x4d: {  	[tilespmem:s20+$0x147C0] =	vst v24  }
0x4e: {  	[tilespmem:s20+$0x147D0] =	vst v24  }
0x4f: {  	[tilespmem:s20+$0x147E0] =	vst v24  }
0x50: {  	[spmem:s9] =	stream.linear.scatter [tilespmem:s23], [sflag:$0xA], $0x1000, $0x38;
	[tilespmem:$0x15780] =	vst v63  }
0x51: {  	_ =	swait.ge [sflag:s24], $0x1000  }
0x52: {  	[sflag:s24] =	ssyncset.done $0x0  }
0x53: {  	p2 =	sne.s32 s7, $0x1;
	[sflag:s24] =	ssyncadd.s32 $0xFFFFF000  }
0x54: {  	[spmem:s10] =	stream.linear.scatter [tilespmem:s23], [sflag:$0xA], $0x1000, $0x38;
	[tilespmem:$0x15780] =	vst v63  }
.Ltmp5:
0x55: {  	_ =	swait.ge [sflag:s24], $0x1000;
	(pc) =	sbr.rel @!p2 .LBB2_9-.Ltmp5, $4  }
0x56: {  	[sflag:s24] =	ssyncset.done $0x0  }
0x57: {  	[sflag:s24] =	ssyncadd.s32 $0xFFFFF000  }
0x58: {  	_ =	swait.ge [sflag:s25], $0x80  }
0x59: {  	s20 =	sadd.s32 $0xFFFFFFFF, s7;
	[sflag:s25] =	ssyncset.done $0x0  }
.LBB2_8:
0x5a: {  	p2 =	sne.s32 s20, $0x1;
	s20 =	sadd.s32 $0xFFFFFFFF, s20;
	[sflag:s25] =	ssyncadd.s32 $0xFFFFFF80  }
.Ltmp6:
0x5b: {  	(pc) =	sbr.rel @p2 .LBB2_8-.Ltmp6, $3  }
0x5c: {  	_ =	sdelay $0x1  }
0x5d: {  	_ =	swait.ge [sflag:s25], $0x80  }
0x5e: {  	[sflag:s25] =	ssyncset.done $0x0  }
.LBB2_9:
0x5f: {  	[sflag:s25] =	ssyncadd.s32 $0xFFFFFF80  }
0x60: {  	[tilespmem:$0x13000] =	vst v0  }
0x61: {  	[tilespmem:$0x13080] =	vst v1  }
0x62: {  	[tilespmem:$0x13100] =	vst v2  }
0x63: {  	[tilespmem:$0x13010] =	vst v3  }
0x64: {  	[tilespmem:$0x13090] =	vst v4  }
0x65: {  	[tilespmem:$0x13110] =	vst v5  }
0x66: {  	[tilespmem:$0x13020] =	vst v6  }
0x67: {  	[tilespmem:$0x130A0] =	vst v7  }
0x68: {  	[tilespmem:$0x13120] =	vst v8  }
0x69: {  	[tilespmem:$0x13030] =	vst v9  }
0x6a: {  	[tilespmem:$0x130B0] =	vst v10  }
0x6b: {  	[tilespmem:$0x13130] =	vst v11  }
0x6c: {  	[tilespmem:$0x13040] =	vst v12  }
0x6d: {  	[tilespmem:$0x130C0] =	vst v13  }
0x6e: {  	[tilespmem:$0x13140] =	vst v14  }
0x6f: {  	[tilespmem:$0x13050] =	vst v15  }
0x70: {  	[tilespmem:$0x130D0] =	vst v16  }
0x71: {  	[tilespmem:$0x13150] =	vst v17  }
0x72: {  	[tilespmem:$0x13060] =	vst v18  }
0x73: {  	[tilespmem:$0x130E0] =	vst v19  }
0x74: {  	[tilespmem:$0x13160] =	vst v20  }
.Ltmp7:
0x75: {  	[tilespmem:$0x13070] =	vst v21;
	(pc) =	sbr.rel @!p1 .LBB2_11-.Ltmp7, $4  }
0x76: {  	[tilespmem:$0x130F0] =	vst v22  }
0x77: {  	[tilespmem:$0x13170] =	vst v23  }
0x78: {  	_ =	swait.ge [sflag:s25], $0x50  }
0x79: {  	s20 =	sadd.s32 $0xFFFFFFFF, s8;
	[sflag:s25] =	ssyncset.done $0x0  }
.LBB2_10:
0x7a: {  	p1 =	sne.s32 s20, $0x1;
	s20 =	sadd.s32 $0xFFFFFFFF, s20;
	[sflag:s25] =	ssyncadd.s32 $0xFFFFFFB0  }
.Ltmp8:
0x7b: {  	(pc) =	sbr.rel @p1 .LBB2_10-.Ltmp8, $3  }
0x7c: {  	_ =	sdelay $0x1  }
0x7d: {  	_ =	swait.ge [sflag:s25], $0x50  }
0x7e: {  	[sflag:s25] =	ssyncset.done $0x0  }
.LBB2_11:
0x7f: {  	[sflag:s25] =	ssyncadd.s32 $0xFFFFFFB0;
	s1 =	simm.s32 $0x80;
	s4 =	simm.s32 $0x13000  }
0x80: {  	s11 =	simm.s32 $0x2000;
	p1 =	sle.u32 s7, $0x0;
	[bflag:$0x0] =	sbarrier.arrive $0xFFFF  }
0x81: {  	[tilespmem:s11], [sflag:$0x2] =	stream.indirect.gather [hbm4b:s0+s1], $0x80, s4, s1, $0xb8;
	[tilespmem:$0x15780] =	vst v63  }
0x82: {  	s28 =	simm.s32 $0x13080;
	s30 =	simm.s32 $0x6000;
	s11 =	simm.s32 @!p1 $0x2  }
0x83: {  	[tilespmem:s30], [sflag:$0x3] =	stream.indirect.gather [hbm4b:s0+s1], $0x80, s28, s1, $0xb8;
	[tilespmem:$0x15780] =	vst v63  }
0x84: {  	_ =	swait.ge @!p1 [sflag:s11], $0x4000  }
0x85: {  	[sflag:s11] =	ssyncset.done @!p1 $0x0  }
0x86: {  	[sflag:s11] =	ssyncadd.s32 @!p1 $0xFFFFC000  }
0x87: {  	v25 =	vld @!p1 [tilespmem:$0x13010]  }
0x88: {  	v26 =	vld @!p1 [tilespmem:$0x13000]  }
0x89: {  	v27 =	vld @!p1 [tilespmem:$0x13040]  }
0x8a: {  	v29 =	vld @!p1 [tilespmem:$0x13030]  }
0x8b: {  	v28 =	vld @!p1 [tilespmem:$0x13050]  }
0x8c: {  	v30 =	vld @!p1 [tilespmem:$0x13060];
	v25 =	vadd.s32 @!p1 $0x6000, v25  }
0x8d: {  	v31 =	vld @!p1 [tilespmem:$0x13020];
	v26 =	vadd.s32 @!p1 $0x6000, v26;
	[tilespmem:$0x13010] =	vst @!p1 v25  }
0x8e: {  	v25 =	vld @!p1 [tilespmem:$0x13070];
	[tilespmem:$0x13000] =	vst @!p1 v26;
	v26 =	vadd.s32 @!p1 $0x6000, v27  }
0x8f: {  	p3 =	sle.u32 @!p1 s17, $0x0;
	v27 =	vadd.s32 @!p1 $0x6000, v29;
	[tilespmem:$0x13040] =	vst @!p1 v26  }
0x90: {  	p2 =	por p3, p1;
	v26 =	vadd.s32 @!p1 $0x6000, v28;
	[tilespmem:$0x13030] =	vst @!p1 v27  }
0x91: {  	p4 =	por @!p2 $0x1, $0x1;
	[tilespmem:$0x13050] =	vst @!p1 v26;
	v26 =	vadd.s32 @!p1 $0x6000, v30  }
0x92: {  	p3 =	por @!p1 p4, p3;
	[tilespmem:$0x13060] =	vst @!p1 v26;
	v26 =	vadd.s32 @!p1 $0x6000, v31  }
0x93: {  	p3 =	por p3, p1;
	[tilespmem:$0x13020] =	vst @!p1 v26;
	v25 =	vadd.s32 @!p1 $0x6000, v25  }
0x94: {  	s11 =	simm.s32 @!p3 $0x7;
	[tilespmem:$0x13070] =	vst @!p1 v25  }
0x95: {  	_ =	swait.ge @!p3 [sflag:s11], $0x4000  }
0x96: {  	s26 =	simm.s32 $0x13180;
	s20 =	simm.s32 @!p2 $0xA000;
	[sflag:s11] =	ssyncset.done @!p3 $0x0  }
0x97: {  	s21 =	simm.s32 @!p2 $0x13100;
	[sflag:s11] =	ssyncadd.s32 @!p3 $0xFFFFC000;
	s11 =	simm.s32 @!p2 $0x80  }
0x98: {  	[tilespmem:s20], [sflag:$0x4] =	stream.indirect.gather @!p2 [hbm4b:s0+s11], $0x80, s21, s11, $0xb8;
	[tilespmem:$0x15780] =	vst v63  }
0x99: {  	s11 =	simm.s32 @!p1 $0x80;
	s20 =	simm.s32 @!p1 $0x2000;
	p2 =	sle.u32 s7, $0x1  }
0x9a: {  	[spmem:s5] =	stream.indirect.scatter.add.f32 @!p1 [tilespmem:s20], [sflag:$0x5], $0x80, s26, s11, $0xb8;
	[tilespmem:$0x15780] =	vst v63  }
0x9b: {  	s11 =	simm.s32 @!p2 $0x3  }
0x9c: {  	_ =	swait.ge @!p2 [sflag:s11], $0x4000  }
0x9d: {  	[sflag:s11] =	ssyncset.done @!p2 $0x0  }
0x9e: {  	[sflag:s11] =	ssyncadd.s32 @!p2 $0xFFFFC000  }
0x9f: {  	v25 =	vld @!p2 [tilespmem:$0x13080]  }
0xa0: {  	v26 =	vld @!p2 [tilespmem:$0x13090]  }
0xa1: {  	v28 =	vld @!p2 [tilespmem:$0x130A0]  }
0xa2: {  	v29 =	vld @!p2 [tilespmem:$0x130F0]  }
0xa3: {  	v27 =	vld @!p2 [tilespmem:$0x130C0]  }
0xa4: {  	v30 =	vadd.s32 @!p2 $0x6000, v25;
	v25 =	vld @!p2 [tilespmem:$0x130D0]  }
0xa5: {  	[tilespmem:$0x13080] =	vst @!p2 v30;
	v30 =	vadd.s32 @!p2 $0x6000, v26;
	v26 =	vld @!p2 [tilespmem:$0x130E0]  }
0xa6: {  	s22 =	simm.s32 $0x3;
	[tilespmem:$0x13090] =	vst @!p2 v30;
	v30 =	vadd.s32 @!p2 $0x6000, v28;
	v28 =	vld @!p2 [tilespmem:$0x130B0]  }
0xa7: {  	s21 =	simm.s32 $0x0;
	p3 =	sle.u32 @!p2 s18, $0x0;
	s20 =	simm.s32 $0x13180;
	v29 =	vadd.s32 @!p2 $0x6000, v29;
	[tilespmem:$0x130A0] =	vst @!p2 v30  }
.LBB2_12:
0xa8: {  	v27 =	vadd.s32 @!p2 $0x6000, v27;
	[tilespmem:$0x130F0] =	vst @!p2 v29;
	s26 =	sadd.s32 $0x180, s26;
	s11 =	smov.u32 s22;
	s22 =	sadd.s32 $0x3, s22  }
0xa9: {  	p1 =	sne.s32 s22, $0x2A;
	[tilespmem:$0x130C0] =	vst @!p2 v27;
	v25 =	vadd.s32 @!p2 $0x6000, v25  }
0xaa: {  	[tilespmem:$0x130D0] =	vst @!p2 v25;
	v25 =	vadd.s32 @!p2 $0x6000, v26  }
0xab: {  	p3 =	por p3, p2;
	v26 =	vadd.s32 @!p2 $0x6000, v28;
	[tilespmem:$0x130E0] =	vst @!p2 v25  }
0xac: {  	s30 =	simm.s32 @!p3 $0x5;
	[tilespmem:$0x130B0] =	vst @!p2 v26  }
0xad: {  	s1 =	simm.s32 @!p2 $0x6000;
	s12 =	simm.s32 @!p3 $0x13000;
	_ =	swait.ge @!p3 [sflag:s30], $0x4000  }
0xae: {  	s28 =	sadd.s32 $0x2, s21;
	s4 =	simm.s32 @!p3 $0x2000;
	[sflag:s30] =	ssyncset.done @!p3 $0x0  }
0xaf: {  	p4 =	sge.u32 s28, s7;
	[sflag:s30] =	ssyncadd.s32 @!p3 $0xFFFFC000;
	s30 =	simm.s32 @!p3 $0x80  }
0xb0: {  	[tilespmem:s4], [sflag:$0x2] =	stream.indirect.gather @!p3 [hbm4b:s0+s30], $0x80, s12, s30, $0xb8;
	[tilespmem:$0x15780] =	vst v63  }
0xb1: {  	s28 =	simm.s32 @!p4 $0x4;
	s4 =	sadd.s32 @!p2 $0x80, s20;
	s12 =	simm.s32 @!p2 $0x80  }
0xb2: {  	[spmem:s5] =	stream.indirect.scatter.add.f32 @!p2 [tilespmem:s1], [sflag:$0x6], $0x80, s4, s12, $0xb8;
	[tilespmem:$0x15780] =	vst v63  }
0xb3: {  	p2 =	sge.u32 @!p4 s21, s19;
	s21 =	smov.u32 s11;
	_ =	swait.ge @!p4 [sflag:s28], $0x4000  }
0xb4: {  	[sflag:s28] =	ssyncset.done @!p4 $0x0  }
0xb5: {  	[sflag:s28] =	ssyncadd.s32 @!p4 $0xFFFFC000  }
0xb6: {  	v25 =	vld @!p4 [tilespmem:$0x13100]  }
0xb7: {  	v26 =	vld @!p4 [tilespmem:$0x13110]  }
0xb8: {  	v27 =	vld @!p4 [tilespmem:$0x13120]  }
0xb9: {  	v28 =	vld @!p4 [tilespmem:$0x13130]  }
0xba: {  	v29 =	vld @!p4 [tilespmem:$0x13140]  }
0xbb: {  	v25 =	vadd.s32 @!p4 $0x6000, v25;
	v30 =	vld @!p4 [tilespmem:$0x13150]  }
0xbc: {  	[tilespmem:$0x13100] =	vst @!p4 v25;
	v25 =	vadd.s32 @!p4 $0x6000, v26;
	v26 =	vld @!p4 [tilespmem:$0x13170]  }
0xbd: {  	[tilespmem:$0x13110] =	vst @!p4 v25;
	v25 =	vadd.s32 @!p4 $0x6000, v27;
	v27 =	vld @!p4 [tilespmem:$0x13160]  }
0xbe: {  	[tilespmem:$0x13120] =	vst @!p4 v25;
	v25 =	vadd.s32 @!p4 $0x6000, v28  }
0xbf: {  	[tilespmem:$0x13130] =	vst @!p4 v25;
	v25 =	vadd.s32 @!p4 $0x6000, v29  }
0xc0: {  	[tilespmem:$0x13140] =	vst @!p4 v25;
	v25 =	vadd.s32 @!p4 $0x6000, v30  }
0xc1: {  	[tilespmem:$0x13150] =	vst @!p4 v25;
	v25 =	vadd.s32 @!p4 $0x6000, v26  }
0xc2: {  	p3 =	sge.u32 s21, s7;
	p6 =	por p2, p4;
	v26 =	vadd.s32 @!p4 $0x6000, v27;
	[tilespmem:$0x13170] =	vst @!p4 v25  }
0xc3: {  	p5 =	sge.u32 @!p3 s21, s17;
	s1 =	simm.s32 @!p6 $0x6;
	[tilespmem:$0x13160] =	vst @!p4 v26  }
0xc4: {  	s4 =	simm.s32 @!p6 $0x6000;
	p2 =	por p5, p3;
	_ =	swait.ge @!p6 [sflag:s1], $0x4000  }
0xc5: {  	s11 =	simm.s32 @!p6 $0x13080;
	p0 =	seq.s32 @!p2 s21, $0x0;
	[sflag:s1] =	ssyncset.done @!p6 $0x0  }
0xc6: {  	p5 =	por @!p3 p0, p5;
	[sflag:s1] =	ssyncadd.s32 @!p6 $0xFFFFC000;
	s1 =	simm.s32 @!p6 $0x80  }
0xc7: {  	[tilespmem:s4], [sflag:$0x3] =	stream.indirect.gather @!p6 [hbm4b:s0+s1], $0x80, s11, s1, $0xb8;
	[tilespmem:$0x15780] =	vst v63  }
0xc8: {  	s1 =	sadd.s32 @!p4 $0x100, s20;
	s4 =	simm.s32 @!p4 $0x80;
	s11 =	simm.s32 @!p4 $0xA000  }
0xc9: {  	[spmem:s5] =	stream.indirect.scatter.add.f32 @!p4 [tilespmem:s11], [sflag:$0x7], $0x80, s1, s4, $0xb8;
	[tilespmem:$0x15780] =	vst v63  }
0xca: {  	s20 =	smov.u32 s26;
	_ =	sdelay $0x2  }
0xcb: {  	s1 =	simm.s32 @!p3 $0x2  }
0xcc: {  	_ =	swait.ge @!p3 [sflag:s1], $0x4000  }
0xcd: {  	[sflag:s1] =	ssyncset.done @!p3 $0x0  }
0xce: {  	[sflag:s1] =	ssyncadd.s32 @!p3 $0xFFFFC000  }
0xcf: {  	v25 =	vld @!p3 [tilespmem:$0x13020]  }
0xd0: {  	p4 =	por p5, p3;
	v26 =	vld @!p3 [tilespmem:$0x13010]  }
0xd1: {  	s1 =	simm.s32 @!p4 $0x7;
	v27 =	vld @!p3 [tilespmem:$0x13000]  }
0xd2: {  	v28 =	vld @!p3 [tilespmem:$0x13040]  }
0xd3: {  	v29 =	vld @!p3 [tilespmem:$0x13050]  }
0xd4: {  	v30 =	vld @!p3 [tilespmem:$0x13030]  }
0xd5: {  	v25 =	vadd.s32 @!p3 $0x6000, v25;
	v26 =	vadd.s32 @!p3 $0x6000, v26;
	v31 =	vld @!p3 [tilespmem:$0x13060]  }
0xd6: {  	v27 =	vadd.s32 @!p3 $0x6000, v27;
	[tilespmem:$0x13010] =	vst @!p3 v26;
	v26 =	vld @!p3 [tilespmem:$0x13070]  }
0xd7: {  	[tilespmem:$0x13000] =	vst @!p3 v27;
	v27 =	vadd.s32 @!p3 $0x6000, v28  }
0xd8: {  	[tilespmem:$0x13040] =	vst @!p3 v27;
	v27 =	vadd.s32 @!p3 $0x6000, v29  }
0xd9: {  	v28 =	vadd.s32 @!p3 $0x6000, v30;
	[tilespmem:$0x13050] =	vst @!p3 v27  }
0xda: {  	[tilespmem:$0x13030] =	vst @!p3 v28;
	v27 =	vadd.s32 @!p3 $0x6000, v31  }
0xdb: {  	[tilespmem:$0x13060] =	vst @!p3 v27;
	v26 =	vadd.s32 @!p3 $0x6000, v26  }
0xdc: {  	[tilespmem:$0x13070] =	vst @!p3 v26  }
0xdd: {  	[tilespmem:$0x13020] =	vst @!p3 v25  }
0xde: {  	_ =	swait.ge @!p4 [sflag:s1], $0x4000  }
0xdf: {  	s4 =	simm.s32 @!p2 $0xA000;
	s11 =	sadd.s32 $0x1, s21;
	[sflag:s1] =	ssyncset.done @!p4 $0x0  }
0xe0: {  	s12 =	simm.s32 @!p2 $0x13100;
	[sflag:s1] =	ssyncadd.s32 @!p4 $0xFFFFC000;
	s1 =	simm.s32 @!p2 $0x80  }
0xe1: {  	[tilespmem:s4], [sflag:$0x4] =	stream.indirect.gather @!p2 [hbm4b:s0+s1], $0x80, s12, s1, $0xb8;
	[tilespmem:$0x15780] =	vst v63  }
0xe2: {  	s1 =	simm.s32 @!p3 $0x80;
	s4 =	simm.s32 @!p3 $0x2000;
	p2 =	sge.u32 s11, s7  }
0xe3: {  	[spmem:s5] =	stream.indirect.scatter.add.f32 @!p3 [tilespmem:s4], [sflag:$0x5], $0x80, s26, s1, $0xb8;
	[tilespmem:$0x15780] =	vst v63  }
0xe4: {  	s1 =	simm.s32 @!p2 $0x3;
	p3 =	sge.u32 @!p2 s21, s18  }
0xe5: {  	_ =	swait.ge @!p2 [sflag:s1], $0x4000  }
0xe6: {  	[sflag:s1] =	ssyncset.done @!p2 $0x0  }
0xe7: {  	[sflag:s1] =	ssyncadd.s32 @!p2 $0xFFFFC000  }
0xe8: {  	v25 =	vld @!p2 [tilespmem:$0x13080]  }
0xe9: {  	v26 =	vld @!p2 [tilespmem:$0x13090]  }
0xea: {  	v28 =	vld @!p2 [tilespmem:$0x130A0]  }
0xeb: {  	v29 =	vld @!p2 [tilespmem:$0x130F0]  }
.Ltmp9:
0xec: {  	v27 =	vld @!p2 [tilespmem:$0x130C0];
	(pc) =	sbr.rel @p1 .LBB2_12-.Ltmp9, $4  }
0xed: {  	v30 =	vadd.s32 @!p2 $0x6000, v25;
	v25 =	vld @!p2 [tilespmem:$0x130D0]  }
0xee: {  	[tilespmem:$0x13080] =	vst @!p2 v30;
	v30 =	vadd.s32 @!p2 $0x6000, v26;
	v26 =	vld @!p2 [tilespmem:$0x130E0]  }
0xef: {  	[tilespmem:$0x13090] =	vst @!p2 v30;
	v30 =	vadd.s32 @!p2 $0x6000, v28;
	v28 =	vld @!p2 [tilespmem:$0x130B0]  }
0xf0: {  	[tilespmem:$0x130A0] =	vst @!p2 v30;
	v29 =	vadd.s32 @!p2 $0x6000, v29  }
0xf1: {  	v27 =	vadd.s32 @!p2 $0x6000, v27;
	[tilespmem:$0x130F0] =	vst @!p2 v29  }
0xf2: {  	[tilespmem:$0x130C0] =	vst @!p2 v27;
	v25 =	vadd.s32 @!p2 $0x6000, v25  }
0xf3: {  	[tilespmem:$0x130D0] =	vst @!p2 v25;
	v25 =	vadd.s32 @!p2 $0x6000, v26  }
0xf4: {  	p0 =	por p3, p2;
	v26 =	vadd.s32 @!p2 $0x6000, v28;
	[tilespmem:$0x130E0] =	vst @!p2 v25  }
0xf5: {  	s1 =	simm.s32 @!p0 $0x5;
	[tilespmem:$0x130B0] =	vst @!p2 v26  }
0xf6: {  	_ =	swait.ge @!p0 [sflag:s1], $0x4000  }
0xf7: {  	s4 =	simm.s32 @!p0 $0x13000;
	[sflag:s1] =	ssyncset.done @!p0 $0x0  }
0xf8: {  	s11 =	simm.s32 @!p0 $0x2000;
	[sflag:s1] =	ssyncadd.s32 @!p0 $0xFFFFC000;
	s1 =	simm.s32 @!p0 $0x80  }
0xf9: {  	[tilespmem:s11], [sflag:$0x2] =	stream.indirect.gather @!p0 [hbm4b:s0+s1], $0x80, s4, s1, $0xb8;
	[tilespmem:$0x15780] =	vst v63  }
0xfa: {  	s1 =	simm.s32 @!p2 $0x6000;
	s4 =	sadd.s32 @!p2 $0x80, s20;
	s11 =	simm.s32 @!p2 $0x80  }
0xfb: {  	[spmem:s5] =	stream.indirect.scatter.add.f32 @!p2 [tilespmem:s1], [sflag:$0x6], $0x80, s4, s11, $0xb8;
	[tilespmem:$0x15780] =	vst v63  }
0xfc: {  	s11 =	sadd.s32 $0x2, s21  }
0xfd: {  	p1 =	sge.u32 s11, s7  }
0xfe: {  	s1 =	simm.s32 @!p1 $0x4  }
0xff: {  	_ =	swait.ge @!p1 [sflag:s1], $0x4000  }
0x100: {  	[sflag:s1] =	ssyncset.done @!p1 $0x0  }
0x101: {  	[sflag:s1] =	ssyncadd.s32 @!p1 $0xFFFFC000  }
0x102: {  	v25 =	vld @!p1 [tilespmem:$0x13100]  }
0x103: {  	v26 =	vld @!p1 [tilespmem:$0x13110]  }
0x104: {  	v27 =	vld @!p1 [tilespmem:$0x13120]  }
0x105: {  	v28 =	vld @!p1 [tilespmem:$0x13130]  }
0x106: {  	v29 =	vld @!p1 [tilespmem:$0x13140]  }
0x107: {  	v30 =	vld @!p1 [tilespmem:$0x13150];
	v25 =	vadd.s32 @!p1 $0x6000, v25  }
0x108: {  	[tilespmem:$0x13100] =	vst @!p1 v25;
	v25 =	vadd.s32 @!p1 $0x6000, v26;
	v26 =	vld @!p1 [tilespmem:$0x13170]  }
0x109: {  	[tilespmem:$0x13110] =	vst @!p1 v25;
	v25 =	vadd.s32 @!p1 $0x6000, v27;
	v27 =	vld @!p1 [tilespmem:$0x13160]  }
0x10a: {  	[tilespmem:$0x13120] =	vst @!p1 v25;
	v25 =	vadd.s32 @!p1 $0x6000, v28  }
0x10b: {  	[tilespmem:$0x13130] =	vst @!p1 v25;
	v25 =	vadd.s32 @!p1 $0x6000, v29  }
0x10c: {  	[tilespmem:$0x13140] =	vst @!p1 v25;
	v25 =	vadd.s32 @!p1 $0x6000, v30  }
0x10d: {  	p0 =	sge.u32 @!p1 s21, s19;
	[tilespmem:$0x13150] =	vst @!p1 v25;
	v25 =	vadd.s32 @!p1 $0x6000, v26  }
0x10e: {  	p0 =	por p0, p1;
	v26 =	vadd.s32 @!p1 $0x6000, v27;
	[tilespmem:$0x13170] =	vst @!p1 v25  }
0x10f: {  	s1 =	simm.s32 @!p0 $0x6;
	[tilespmem:$0x13160] =	vst @!p1 v26  }
0x110: {  	_ =	swait.ge @!p0 [sflag:s1], $0x4000  }
0x111: {  	s12 =	simm.s32 $0x5;
	s4 =	simm.s32 @!p0 $0x6000;
	[sflag:s1] =	ssyncset.done @!p0 $0x0  }
0x112: {  	s11 =	simm.s32 @!p0 $0x13080;
	[sflag:s1] =	ssyncadd.s32 @!p0 $0xFFFFC000;
	s1 =	simm.s32 @!p0 $0x80  }
0x113: {  	[tilespmem:s4], [sflag:$0x3] =	stream.indirect.gather @!p0 [hbm4b:s0+s1], $0x80, s11, s1, $0xb8;
	[tilespmem:$0x15780] =	vst v63  }
0x114: {  	s1 =	sadd.s32 @!p1 $0x100, s20;
	s4 =	simm.s32 @!p1 $0x80;
	s11 =	simm.s32 @!p1 $0xA000  }
0x115: {  	[spmem:s5] =	stream.indirect.scatter.add.f32 @!p1 [tilespmem:s11], [sflag:$0x7], $0x80, s1, s4, $0xb8;
	[tilespmem:$0x15780] =	vst v63  }
0x116: {  	_ =	swait.ge [sflag:s12], $0x4000  }
0x117: {  	[sflag:s12] =	ssyncset.done $0x0  }
0x118: {  	s20 =	simm.s32 $0x6;
	[sflag:s12] =	ssyncadd.s32 $0xFFFFC000  }
0x119: {  	_ =	swait.ge [sflag:s20], $0x4000  }
0x11a: {  	[sflag:s20] =	ssyncset.done $0x0  }
0x11b: {  	s21 =	simm.s32 $0x7;
	[sflag:s20] =	ssyncadd.s32 $0xFFFFC000  }
0x11c: {  	_ =	swait.ge [sflag:s21], $0x4000  }
0x11d: {  	[sflag:s21] =	ssyncset.done $0x0  }
0x11e: {  	s22 =	rddreg [dreg:$0x9];
	[sflag:s21] =	ssyncadd.s32 $0xFFFFC000  }
0x11f: {  	[tilespmem:s29], [sflag:$0x8] =	stream.linear.gather [hbm4b:s22+s6], $0x2800, $0x38;
	[tilespmem:$0x15780] =	vst v63  }
0x120: {  	s28 =	simm.s32 $0x10800;
	s26 =	rddreg [dreg:$0xe]  }
0x121: {  	[tilespmem:s28], [sflag:$0x9] =	stream.linear.gather [hbm4b:s26+s6], $0x2800, $0x38;
	[tilespmem:$0x15780] =	vst v63  }
0x122: {  	_ =	swait.ge [sflag:s31], $0x2800  }
0x123: {  	[sflag:s31] =	ssyncset.done $0x0  }
0x124: {  	s30 =	simm.s32 $0x50;
	s12 =	simm.s32 $0x14580;
	[sflag:s31] =	ssyncadd.s32 $0xFFFFD800  }
0x125: {  	[spmem:s3] =	stream.indirect.scatter.add.f32 [tilespmem:s29], [sflag:$0xB], $0x80, s12, s30, $0xb8;
	[tilespmem:$0x15780] =	vst v63  }
0x126: {  	_ =	swait.ge [sflag:s15], $0x2800  }
0x127: {  	[sflag:s15] =	ssyncset.done $0x0  }
0x128: {  	s20 =	rddreg [dreg:$0xf];
	[sflag:s15] =	ssyncadd.s32 $0xFFFFD800  }
0x129: {  	[tilespmem:s29], [sflag:$0x8] =	stream.linear.gather [hbm4b:s20+s6], $0x2800, $0x38;
	[tilespmem:$0x15780] =	vst v63  }
0x12a: {  	_ =	swait.ge [sflag:s13], $0x2800  }
0x12b: {  	[sflag:s13] =	ssyncset.done $0x0  }
0x12c: {  	s21 =	simm.s32 $0x14600;
	[sflag:s13] =	ssyncadd.s32 $0xFFFFD800  }
0x12d: {  	[spmem:s3] =	stream.indirect.scatter.add.f32 [tilespmem:s28], [sflag:$0xA], $0x80, s21, s30, $0xb8;
	[tilespmem:$0x15780] =	vst v63  }
0x12e: {  	_ =	swait.ge [sflag:s24], $0x2800  }
0x12f: {  	s22 =	sld [smem:$0x7FD];
	_ =	sdelay $0x2  }
0x130: {  	[sflag:s24] =	ssyncset.done $0x0;
	s11 =	rddreg [dreg:$0x10];
	p0 =	seq.s32 s22, $0x1  }
0x131: {  	[sflag:s24] =	ssyncadd.s32 $0xFFFFD800;
	s1 =	simm.s32 @p0 $0x0;
	s4 =	simm.s32 @p0 $0x10800  }
0x132: {  	[tilespmem:s4], [sflag:$0x9] =	stream.linear.gather @p0 [hbm4b:s11+s1], $0x2800, $0x38;
	[tilespmem:$0x15780] =	vst v63  }
0x133: {  	s1 =	simm.s32 @p0 $0x8  }
0x134: {  	_ =	swait.ge @p0 [sflag:s1], $0x2800  }
0x135: {  	s12 =	simm.s32 @p0 $0xE000;
	[sflag:s1] =	ssyncset.done @p0 $0x0  }
0x136: {  	s11 =	simm.s32 @p0 $0x14680;
	[sflag:s1] =	ssyncadd.s32 @p0 $0xFFFFD800;
	s1 =	simm.s32 @p0 $0x50  }
0x137: {  	[spmem:s3] =	stream.indirect.scatter.add.f32 @p0 [tilespmem:s12], [sflag:$0xB], $0x80, s11, s1, $0xb8;
	[tilespmem:$0x15780] =	vst v63  }
0x138: {  	s11 =	simm.s32 @p0 $0xB  }
0x139: {  	_ =	swait.ge @p0 [sflag:s11], $0x2800  }
0x13a: {  	[sflag:s11] =	ssyncset.done @p0 $0x0  }
0x13b: {  	[sflag:s11] =	ssyncadd.s32 @p0 $0xFFFFD800;
	s11 =	simm.s32 @p0 $0x9  }
0x13c: {  	_ =	swait.ge @p0 [sflag:s11], $0x2800  }
0x13d: {  	[sflag:s11] =	ssyncset.done @p0 $0x0  }
0x13e: {  	[sflag:s11] =	ssyncadd.s32 @p0 $0xFFFFD800;
	s11 =	simm.s32 @p0 $0x14700  }
0x13f: {  	[spmem:s3] =	stream.indirect.scatter.add.f32 @p0 [tilespmem:s4], [sflag:$0xA], $0x80, s11, s1, $0xb8;
	[tilespmem:$0x15780] =	vst v63  }
0x140: {  	s1 =	simm.s32 @!p0 $0x8  }
0x141: {  	_ =	swait.ge @!p0 [sflag:s1], $0x2800  }
0x142: {  	s4 =	simm.s32 @!p0 $0x14680;
	[sflag:s1] =	ssyncset.done @!p0 $0x0  }
0x143: {  	s11 =	simm.s32 @!p0 $0xE000;
	[sflag:s1] =	ssyncadd.s32 @!p0 $0xFFFFD800;
	s1 =	simm.s32 @!p0 $0x50  }
0x144: {  	[spmem:s3] =	stream.indirect.scatter.add.f32 @!p0 [tilespmem:s11], [sflag:$0xB], $0x80, s4, s1, $0xb8;
	[tilespmem:$0x15780] =	vst v63  }
0x145: {  	s1 =	simm.s32 @!p0 $0xB  }
0x146: {  	s1 =	simm.s32 @p0 $0xA  }
0x147: {  	_ =	swait.ge [sflag:s1], $0x2800  }
0x148: {  	[sflag:s1] =	ssyncset.done $0x0  }
0x149: {  	[sflag:s1] =	ssyncadd.s32 $0xFFFFD800  }
0x14a: {  	[bflag:$0x0] =	sbarrier.arrive $0xFFFF  }
0x14b: {  	[tilespmem:s23], [sflag:$0xA] =	stream.linear.gather [spmem:s9], $0x1000, $0x38;
	[tilespmem:$0x15780] =	vst v63  }
0x14c: {  	_ =	swait.ge [sflag:s24], $0x1000  }
0x14d: {  	[sflag:s24] =	ssyncset.done $0x0  }
0x14e: {  	s26 =	rddreg [dreg:$0xa];
	[sflag:s24] =	ssyncadd.s32 $0xFFFFF000  }
0x14f: {  	[hbm4b:s26+s6] =	stream.linear.scatter [tilespmem:s23], [sflag:$0xA], $0x1000, $0x38;
	[tilespmem:$0x15780] =	vst v63  }
0x150: {  	_ =	swait.ge [sflag:s24], $0x1000  }
0x151: {  	[sflag:s24] =	ssyncset.done $0x0  }
0x152: {  	[sflag:s24] =	ssyncadd.s32 $0xFFFFF000  }
0x153: {  	[tilespmem:s23], [sflag:$0xA] =	stream.linear.gather [spmem:s10], $0x1000, $0x38;
	[tilespmem:$0x15780] =	vst v63  }
0x154: {  	_ =	swait.ge [sflag:s24], $0x1000  }
0x155: {  	[sflag:s24] =	ssyncset.done $0x0  }
0x156: {  	s28 =	rddreg [dreg:$0xc];
	[sflag:s24] =	ssyncadd.s32 $0xFFFFF000  }
0x157: {  	[hbm4b:s28+s6] =	stream.linear.scatter [tilespmem:s23], [sflag:$0xA], $0x1000, $0x38;
	[tilespmem:$0x15780] =	vst v63  }
0x158: {  	_ =	swait.ge [sflag:s24], $0x1000  }
0x159: {  	s16 =	sadd.s32 $0x1, s16;
	s30 =	rddreg [dreg:$0xd]  }
0x15a: {  	p0 =	sne.s32 s16, s30  }
.Ltmp10:
0x15b: {  	_ = 	snop;
	(pc) =	sbr.rel @p0 .LBB2_1-.Ltmp10, $3  }
0x15c: {  	_ =	sdelay $0x1  }
0x15d: {  	[sflag:s24] =	ssyncset.done $0x0  }
0x15e: {  	[sflag:s24] =	ssyncadd.s32 $0xFFFFF000  }
0x15f: {  	_ =	sfence.sel $0x180000  }
0x160: {  	[bflag:$0x0] =	sbarrier.arrive $0xFFFF  }
0x161: {  	_ =	strace $0x90000047  }
0x162: {  	s0 =	stileid.u32;
	[bflag:$0x2] =	sbarrier.arrive $0xFFFF  }
0x163: {  	p0 =	sne.s32 s0, $0x0;
	s0 =	rddreg [dreg:$0x8]  }
0x164: {  	s0 =	sadd.s32 @!p0 $0x100000, s0  }
0x165: {  	[sflag:s0] =	ssyncadd.tile.s32 @!p0 $0x1;
	_ =	shalt  }
.Lfunc_end2:
_tile_overlayer_lowered:
.L_overlay_start_2:
0x166: {  	(tag) =	ssettag $0x2  }
0x167: {  	s0 =	rddreg [dreg:$0x0];
	s2 =	stileid.u32  }
0x168: {  	s1 =	rddreg [dreg:$0x1];
	p0 =	sne.s32 s2, $0x0  }
0x169: {  	s3 =	rddreg [dreg:$0x2];
	[bflag:$0x3] =	sbarrier.arrive $0xFFFF;
	s2 =	simm.s32 @!p0 $0x1C0A  }
0x16a: {  	[timem:s3], [sflag:s2] =	dma.local @!p0 [hbm:s0], s1  }
0x16b: {  	s0 =	simm.s32 @!p0 $0xA  }
0x16c: {  	_ =	swait.ge @!p0 [sflag:s0], s1  }
0x16d: {  	s1 =	ssub.s32 @!p0 $0x0, s1;
	[sflag:s0] =	ssyncset.done @!p0 $0x0  }
0x16e: {  	[sflag:s0] =	ssyncadd.s32 @!p0 s1  }
0x16f: {  	[bflag:$0x3] =	sbarrier.arrive $0xFFFF  }
0x170: {  	_ =	shalt  }

</sc_bundles>
